<compile_context>
chip_gen: v7x
topology: tpu7x:2x2x1
jax: 0.10.2.dev20260603
libtpu: 0.0.44.dev20260713+nightly
codegen_flags: <defaults>
</compile_context>

<pallas_src>
import functools

import jax
import jax.numpy as jnp
from jax import lax
from jax.experimental import pallas as pl
from jax.experimental.pallas import tpu as pltpu
from jax.experimental.pallas import tpu_sc as plsc

N = 10000
E = 320000
D = 128
H = 2
OUT = 32
R = 16
ALPHA = 0.2
HO = H * OUT
RH = R * H
SW = 128
SCW = 2
NC = 2
NS = 16
NW = NC * NS
EPW = E // NW
CHUNK = 80
NCH = EPW // CHUNK
LANES = 16
NP = 10112
ZR = NP // NS
ZF = (NP * RH) // NS
BLK = 1000


def _tc1_body(x_ref, a1_ref, a2m_ref, a3_ref, a2c_ref, rel_ref, wrel_ref,
              src_tab_ref, sct_ref, p2_ref, p3_ref, p3s_ref, rel_out_ref):
    xv = x_ref[...]
    a2c = a2c_ref[...]
    p1 = jnp.dot(xv, a1_ref[...], preferred_element_type=jnp.float32)
    s10 = jnp.sum(p1[:, :OUT] * a2c[:, :OUT], axis=1, keepdims=True)
    s11 = jnp.sum(p1[:, OUT:] * a2c[:, OUT:], axis=1, keepdims=True)
    pad = jnp.zeros((p1.shape[0], SW - HO - 2), jnp.float32)
    src_tab_ref[...] = jnp.concatenate([p1, s10, s11, pad], axis=1)
    p2 = jnp.dot(xv, a2m_ref[...], preferred_element_type=jnp.float32)
    p2_ref[...] = p2
    s20 = jnp.sum(p2[:, :OUT] * a2c[:, :OUT], axis=1, keepdims=True)
    s21 = jnp.sum(p2[:, OUT:] * a2c[:, OUT:], axis=1, keepdims=True)
    sct_ref[...] = jnp.concatenate([s20, s21], axis=1)

    @pl.when(pl.program_id(0) == 0)
    def _():
        relv = rel_ref[...]
        p3 = jnp.dot(relv, a3_ref[...], preferred_element_type=jnp.float32)
        t30 = jnp.sum(p3[:, :OUT] * a2c[:, :OUT], axis=1, keepdims=True)
        t31 = jnp.sum(p3[:, OUT:] * a2c[:, OUT:], axis=1, keepdims=True)
        padr = jnp.zeros((R, SW - HO - 2), jnp.float32)
        p3_ref[...] = jnp.concatenate([p3, t30, t31, padr], axis=1)
        p3s_ref[...] = jnp.concatenate([t30, t31], axis=1)
        rel_out_ref[...] = jnp.dot(relv, wrel_ref[...],
                                   preferred_element_type=jnp.float32)


_tc1 = pl.pallas_call(
    _tc1_body,
    grid=(N // BLK,),
    in_specs=[
        pl.BlockSpec((BLK, D), lambda i: (i, 0)),
        pl.BlockSpec((D, HO), lambda i: (0, 0)),
        pl.BlockSpec((D, HO), lambda i: (0, 0)),
        pl.BlockSpec((D, HO), lambda i: (0, 0)),
        pl.BlockSpec((1, HO), lambda i: (0, 0)),
        pl.BlockSpec((R, D), lambda i: (0, 0)),
        pl.BlockSpec((D, HO), lambda i: (0, 0)),
    ],
    out_specs=[
        pl.BlockSpec((BLK, SW), lambda i: (i, 0)),
        pl.BlockSpec((BLK, SCW), lambda i: (i, 0)),
        pl.BlockSpec((BLK, HO), lambda i: (i, 0)),
        pl.BlockSpec((R, SW), lambda i: (0, 0)),
        pl.BlockSpec((R, SCW), lambda i: (0, 0)),
        pl.BlockSpec((R, HO), lambda i: (0, 0)),
    ],
    out_shape=[
        jax.ShapeDtypeStruct((N, SW), jnp.float32),
        jax.ShapeDtypeStruct((N, SCW), jnp.float32),
        jax.ShapeDtypeStruct((N, HO), jnp.float32),
        jax.ShapeDtypeStruct((R, SW), jnp.float32),
        jax.ShapeDtypeStruct((R, SCW), jnp.float32),
        jax.ShapeDtypeStruct((R, HO), jnp.float32),
    ],
)


def _sc_body(srctab, sct, p3f_h, s3f_h, esrc, edst, et, zrows,
             acc_out,
             sidx0, didx0, tidx0, rows0, sidx1, didx1, tidx1, rows1,
             sctv, wbuf, p3f, s3f, sem_idx, sem_gat,
             acc_sh):
    cid = lax.axis_index("c")
    sid = lax.axis_index("s")
    gw = cid * NS + sid

    pltpu.sync_copy(p3f_h, p3f)
    pltpu.sync_copy(s3f_h, s3f)
    pltpu.sync_copy(sct, sctv)
    pltpu.sync_copy(zrows, acc_sh.at[pl.ds(sid * ZR, ZR)])
    plsc.subcore_barrier()

    ebase = gw * EPW
    lane = lax.iota(jnp.int32, LANES)
    c64 = jnp.full((LANES,), HO, jnp.int32)
    c65 = jnp.full((LANES,), HO + 1, jnp.int32)
    bufs = ((sidx0, didx0, tidx0, rows0), (sidx1, didx1, tidx1, rows1))

    def start_idx(k, b):
        base = ebase + jnp.minimum(k, NCH - 1) * CHUNK
        si, di, ti, _ = bufs[b]
        pltpu.async_copy(esrc.at[pl.ds(base, CHUNK)], si, sem_idx)
        pltpu.async_copy(edst.at[pl.ds(base, CHUNK)], di, sem_idx)
        pltpu.async_copy(et.at[pl.ds(base, CHUNK)], ti, sem_idx)

    def wait_idx(b):
        si, di, ti, _ = bufs[b]
        pltpu.make_async_copy(esrc.at[pl.ds(0, CHUNK)], si, sem_idx).wait()
        pltpu.make_async_copy(edst.at[pl.ds(0, CHUNK)], di, sem_idx).wait()
        pltpu.make_async_copy(et.at[pl.ds(0, CHUNK)], ti, sem_idx).wait()

    def compute_scatter(b):
        si, di, ti, rows = bufs[b]
        for g in range(CHUNK // LANES):
            eo = g * LANES
            rvec = eo + lane
            tvec2 = ti[pl.ds(eo, LANES)] * SCW
            dvec2 = di[pl.ds(eo, LANES)] * SCW
            s10 = plsc.load_gather(rows, [rvec, c64])
            s11 = plsc.load_gather(rows, [rvec, c65])
            s20 = plsc.load_gather(sctv, [dvec2])
            s21 = plsc.load_gather(sctv, [dvec2 + 1])
            s30 = plsc.load_gather(s3f, [tvec2])
            s31 = plsc.load_gather(s3f, [tvec2 + 1])
            e0 = s10 + s20 + s30
            e1 = s11 + s21 + s31
            w0 = jnp.exp(jnp.maximum(e0, ALPHA * e0))
            w1 = jnp.exp(jnp.maximum(e1, ALPHA * e1))
            wbuf[0, pl.ds(eo, LANES)] = w0
            wbuf[1, pl.ds(eo, LANES)] = w1
            plsc.store_scatter(rows, [rvec, c64], w0)
            plsc.store_scatter(rows, [rvec, c65], w1)

        for g in range(0):
            eo = g * LANES
            tv = ti[pl.ds(eo, LANES)] * SW
            w0v = wbuf[0, pl.ds(eo, LANES)]
            w1v = wbuf[1, pl.ds(eo, LANES)]
            for jj in range(LANES):
                j = eo + jj
                t128 = tv[jj]
                for q in range(HO // LANES):
                    ws = w0v[jj] if q < (OUT // LANES) else w1v[jj]
                    vec = (rows[j, pl.ds(q * LANES, LANES)]
                           + p3f[pl.ds(t128 + q * LANES, LANES)])
                    rows[j, pl.ds(q * LANES, LANES)] = vec * ws

        pltpu.sync_copy(rows, acc_sh.at[di], add=True)

    def half(k, cur):
        nxt = 1 - cur
        wait_idx(nxt)
        gat = pltpu.async_copy(srctab.at[bufs[nxt][0]], bufs[nxt][3],
                               sem_gat)
        compute_scatter(cur)
        start_idx(k + 2, cur)
        gat.wait()

    start_idx(0, 0)
    wait_idx(0)
    pltpu.async_copy(srctab.at[sidx0], rows0, sem_gat).wait()
    start_idx(1, 1)

    def pair(m, carry):
        half(2 * m, 0)
        half(2 * m + 1, 1)
        return carry

    lax.fori_loop(0, (NCH - 1) // 2, pair, 0)
    wait_idx(1)
    compute_scatter(0)
    plsc.subcore_barrier()
    pltpu.sync_copy(acc_sh.at[pl.ds(sid * ZR, ZR)],
                    acc_out.at[cid, pl.ds(sid * ZR, ZR)])


_sc = pl.kernel(
    _sc_body,
    out_type=jax.ShapeDtypeStruct((NC, NP, SW), jnp.float32),
    mesh=plsc.VectorSubcoreMesh(core_axis_name="c", subcore_axis_name="s",
                                num_cores=NC, num_subcores=NS),
    compiler_params=pltpu.CompilerParams(needs_layout_passes=False),
    scratch_types=[
        pltpu.VMEM((CHUNK,), jnp.int32),
        pltpu.VMEM((CHUNK,), jnp.int32),
        pltpu.VMEM((CHUNK,), jnp.int32),
        pltpu.VMEM((CHUNK, SW), jnp.float32),
        pltpu.VMEM((CHUNK,), jnp.int32),
        pltpu.VMEM((CHUNK,), jnp.int32),
        pltpu.VMEM((CHUNK,), jnp.int32),
        pltpu.VMEM((CHUNK, SW), jnp.float32),
        pltpu.VMEM((N * SCW,), jnp.float32),
        pltpu.VMEM((2, CHUNK), jnp.float32),
        pltpu.VMEM((R * SW,), jnp.float32),
        pltpu.VMEM((R * SCW,), jnp.float32),
        pltpu.SemaphoreType.DMA,
        pltpu.SemaphoreType.DMA,
        pltpu.VMEM_SHARED((NP, SW), jnp.float32),
    ],
)


def _tc2_body(a0_ref, a1_ref, p2_ref, out_ref):
    acc = a0_ref[...] + a1_ref[...]
    p2v = p2_ref[...]
    cols = []
    for h in range(H):
        wsum = acc[:, HO + h:HO + h + 1]
        num = (acc[:, h * OUT:(h + 1) * OUT]
               + wsum * p2v[:, h * OUT:(h + 1) * OUT])
        v = num / (wsum + 1e-16)
        cols.append(jnp.where(v > 0, v, jnp.exp(jnp.minimum(v, 0.0)) - 1.0))
    out_ref[...] = jnp.concatenate(cols, axis=1)


_tc2 = pl.pallas_call(
    _tc2_body,
    grid=(N // BLK,),
    in_specs=[
        pl.BlockSpec((BLK, SW), lambda i: (i, 0)),
        pl.BlockSpec((BLK, SW), lambda i: (i, 0)),
        pl.BlockSpec((BLK, HO), lambda i: (i, 0)),
    ],
    out_specs=pl.BlockSpec((BLK, HO), lambda i: (i, 0)),
    out_shape=jax.ShapeDtypeStruct((N, HO), jnp.float32),
)


@jax.jit
def kernel(x, edge_index, edge_type, rel_embed, a, a2, W_rel):
    x = x.astype(jnp.float32)
    ei = edge_index.astype(jnp.int32)
    et = edge_type.astype(jnp.int32)
    a1m = a[:, :D, :].transpose(1, 0, 2).reshape(D, HO)
    a2m = a[:, D:2 * D, :].transpose(1, 0, 2).reshape(D, HO)
    a3m = a[:, 2 * D:, :].transpose(1, 0, 2).reshape(D, HO)
    a2c = a2.reshape(1, HO)

    src_tab, sct, p2, p3_tab, p3s, out_rel = _tc1(x, a1m, a2m, a3m, a2c,
                                                  rel_embed, W_rel)

    zrows = jnp.zeros((ZR, SW), jnp.float32)
    acc = _sc(src_tab, sct.reshape(-1), p3_tab.reshape(-1), p3s.reshape(-1),
              ei[0], ei[1], et, zrows)

    out_entity = _tc2(acc[0, :N], acc[1, :N], p2)
    return (out_entity, out_rel)

# --- scband reference (transcript-rebuilt; emitter-appended) ---
"""Pipeline reference for scband-gataggregator-84859963834572 (READ-ONLY COPY).

The authoritative reference and input builder live on the scoring server;
editing this copy changes nothing except your own understanding.
"""

import jax, jax.numpy as jnp
import numpy as np

N = 10000
E = 320000
D = 128
H = 2
OUT = 32
R = 16
ALPHA = 0.2


def setup_inputs(seed: int = 0) -> dict:
    key = jax.random.key(seed)
    k1, k2, k3, k4, k5, k6, k7 = jax.random.split(key, 7)
    x = jax.random.normal(k1, (N, D), dtype=jnp.float32)
    edge_index = jax.random.randint(k2, (2, E), 0, N)
    edge_type = jax.random.randint(k3, (E,), 0, R)
    rel_embed = jax.random.uniform(k4, (R, D), dtype=jnp.float32, minval=-1.0, maxval=1.0)
    a = jax.random.normal(k5, (H, 3 * D, OUT), dtype=jnp.float32) * 0.05
    a2 = jax.random.normal(k6, (H, OUT), dtype=jnp.float32) * 0.05
    W_rel = jax.random.normal(k7, (D, H * OUT), dtype=jnp.float32) * 0.05
    return {"x": x, "edge_index": edge_index, "edge_type": edge_type,
            "rel_embed": rel_embed, "a": a, "a2": a2, "W_rel": W_rel}


def _segment_softmax(e, dst, n):
    m = jax.ops.segment_max(e, dst, num_segments=n)
    m = jnp.where(jnp.isfinite(m), m, 0.0)
    ex = jnp.exp(e - m[dst])
    s = jax.ops.segment_sum(ex, dst, num_segments=n)
    return ex / (s[dst] + 1e-16)


def reference(x, edge_index, edge_type, rel_embed, a, a2, W_rel):
    # SpKBGAT-style sparse GAT layer: per-edge features from (h_src, h_dst, g_rel),
    # per-head attention via leaky-relu scoring + segment softmax over dst nodes,
    # scatter-add aggregation, ELU, head concat; relation embeddings linearly projected.
    src = edge_index[0]
    dst = edge_index[1]
    n = x.shape[0]
    edge_feat = jnp.concatenate([x[src], x[dst], rel_embed[edge_type]], axis=1)  # [E, 3D]
    head_outs = []
    for hd in range(H):
        m = edge_feat @ a[hd]                                   # [E, OUT]
        e = jax.nn.leaky_relu(m @ a2[hd], negative_slope=ALPHA)  # [E]
        alpha = _segment_softmax(e, dst, n)                     # [E]
        agg = jax.ops.segment_sum(alpha[:, None] * m, dst, num_segments=n)  # [N, OUT]
        head_outs.append(jax.nn.elu(agg))
    out_entity = jnp.concatenate(head_outs, axis=1)             # [N, H*OUT]
    out_relation = rel_embed @ W_rel                            # [R, H*OUT]
    return (out_entity, out_relation)

if __name__ == "__main__":
    import jax
    _d = setup_inputs()
    print(jax.jit(kernel)(*tuple(_d.values())))

</pallas_src>

<mosaic_0001>
#map = affine_map<(d0, d1) -> (0, 0)>
#map1 = affine_map<(d0, d1) -> (0)>
#map2 = affine_map<(d0, d1) -> (0, 0, 0)>
module attributes {stable_mosaic.version = 14 : i64} {
  func.func @_sc_body(%arg0: i32, %arg1: i32, %arg2: memref<10000x128xf32, #tpu.memory_space<hbm>>, %arg3: memref<20000xf32, #tpu.memory_space<hbm>>, %arg4: memref<2048xf32, #tpu.memory_space<hbm>>, %arg5: memref<32xf32, #tpu.memory_space<hbm>>, %arg6: memref<320000xi32, #tpu.memory_space<hbm>>, %arg7: memref<320000xi32, #tpu.memory_space<hbm>>, %arg8: memref<320000xi32, #tpu.memory_space<hbm>>, %arg9: memref<632x128xf32, #tpu.memory_space<hbm>>, %arg10: memref<2x10112x128xf32, #tpu.memory_space<hbm>>, %arg11: memref<80xi32, #tpu.memory_space<vmem>>, %arg12: memref<80xi32, #tpu.memory_space<vmem>>, %arg13: memref<80xi32, #tpu.memory_space<vmem>>, %arg14: memref<80x128xf32, #tpu.memory_space<vmem>>, %arg15: memref<80xi32, #tpu.memory_space<vmem>>, %arg16: memref<80xi32, #tpu.memory_space<vmem>>, %arg17: memref<80xi32, #tpu.memory_space<vmem>>, %arg18: memref<80x128xf32, #tpu.memory_space<vmem>>, %arg19: memref<20000xf32, #tpu.memory_space<vmem>>, %arg20: memref<2x80xf32, #tpu.memory_space<vmem>>, %arg21: memref<2048xf32, #tpu.memory_space<vmem>>, %arg22: memref<32xf32, #tpu.memory_space<vmem>>, %arg23: memref<!tpu.dma_semaphore, #tpu.memory_space<semaphore_mem>>, %arg24: memref<!tpu.dma_semaphore, #tpu.memory_space<semaphore_mem>>, %arg25: memref<10112x128xf32, #tpu.memory_space<vmem_shared>>) attributes {dimension_semantics = [#tpu.dimension_semantics<core_parallel>, #tpu.dimension_semantics<subcore_parallel>], iteration_bounds = array<i64: 2, 16>, scalar_prefetch = 0 : i64, scratch_operands = 15 : i64, tpu.core_type = #tpu.core_type<sc_vector_subcore>, window_params = [{transform_indices = #map}, {transform_indices = #map1}, {transform_indices = #map1}, {transform_indices = #map1}, {transform_indices = #map1}, {transform_indices = #map1}, {transform_indices = #map1}, {transform_indices = #map}, {transform_indices = #map2}]} {
    %mul3A = arith.constant 16 : i32
    %mul3A_0 = arith.muli %arg0, %mul3A : i32
    %add3A = arith.addi %mul3A_0, %arg1 : i32
    "tpu.region"() ({
      %run_scoped3A = tpu.sem_alloc : memref<!tpu.dma_semaphore, #tpu.memory_space<semaphore_mem>>
      tpu.enqueue_dma source(%arg4 : memref<2048xf32, #tpu.memory_space<hbm>>) target(%arg21 : memref<2048xf32, #tpu.memory_space<vmem>>) target_semaphore(%run_scoped3A : memref<!tpu.dma_semaphore, #tpu.memory_space<semaphore_mem>>)
      tpu.wait_dma2 semaphore(%run_scoped3A : memref<!tpu.dma_semaphore, #tpu.memory_space<semaphore_mem>>) src(%arg4 : memref<2048xf32, #tpu.memory_space<hbm>>) dst(%arg21 : memref<2048xf32, #tpu.memory_space<vmem>>)
      tpu.yield
    }) : () -> ()
    "tpu.region"() ({
      %run_scoped3A = tpu.sem_alloc : memref<!tpu.dma_semaphore, #tpu.memory_space<semaphore_mem>>
      tpu.enqueue_dma source(%arg5 : memref<32xf32, #tpu.memory_space<hbm>>) target(%arg22 : memref<32xf32, #tpu.memory_space<vmem>>) target_semaphore(%run_scoped3A : memref<!tpu.dma_semaphore, #tpu.memory_space<semaphore_mem>>)
      tpu.wait_dma2 semaphore(%run_scoped3A : memref<!tpu.dma_semaphore, #tpu.memory_space<semaphore_mem>>) src(%arg5 : memref<32xf32, #tpu.memory_space<hbm>>) dst(%arg22 : memref<32xf32, #tpu.memory_space<vmem>>)
      tpu.yield
    }) : () -> ()
    "tpu.region"() ({
      %run_scoped3A = tpu.sem_alloc : memref<!tpu.dma_semaphore, #tpu.memory_space<semaphore_mem>>
      tpu.enqueue_dma source(%arg3 : memref<20000xf32, #tpu.memory_space<hbm>>) target(%arg19 : memref<20000xf32, #tpu.memory_space<vmem>>) target_semaphore(%run_scoped3A : memref<!tpu.dma_semaphore, #tpu.memory_space<semaphore_mem>>)
      tpu.wait_dma2 semaphore(%run_scoped3A : memref<!tpu.dma_semaphore, #tpu.memory_space<semaphore_mem>>) src(%arg3 : memref<20000xf32, #tpu.memory_space<hbm>>) dst(%arg19 : memref<20000xf32, #tpu.memory_space<vmem>>)
      tpu.yield
    }) : () -> ()
    %mul3A_1 = arith.constant 632 : i32
    %mul3A_2 = arith.muli %arg1, %mul3A_1 : i32
    "tpu.region"() ({
      %run_scoped3A = tpu.sem_alloc : memref<!tpu.dma_semaphore, #tpu.memory_space<semaphore_mem>>
      %dma_start3A_299 = arith.constant 0 : i32
      %dma_start3A_300 = tpu.memref_slice %arg25[%mul3A_2, %dma_start3A_299] : memref<10112x128xf32, #tpu.memory_space<vmem_shared>> -> memref<632x128xf32, #tpu.memory_space<vmem_shared>>
      tpu.enqueue_dma source(%arg9 : memref<632x128xf32, #tpu.memory_space<hbm>>) target(%dma_start3A_300 : memref<632x128xf32, #tpu.memory_space<vmem_shared>>) target_semaphore(%run_scoped3A : memref<!tpu.dma_semaphore, #tpu.memory_space<semaphore_mem>>)
      %dma_wait3A_301 = arith.constant 0 : i32
      %dma_wait3A_302 = tpu.memref_slice %arg25[%mul3A_2, %dma_wait3A_301] : memref<10112x128xf32, #tpu.memory_space<vmem_shared>> -> memref<632x128xf32, #tpu.memory_space<vmem_shared>>
      tpu.wait_dma2 semaphore(%run_scoped3A : memref<!tpu.dma_semaphore, #tpu.memory_space<semaphore_mem>>) src(%arg9 : memref<632x128xf32, #tpu.memory_space<hbm>>) dst(%dma_wait3A_302 : memref<632x128xf32, #tpu.memory_space<vmem_shared>>)
      tpu.yield
    }) : () -> ()
    %barrier3A = arith.constant 0 : index
    tpu.barrier barrier_id(%barrier3A)
    %mul3A_3 = arith.constant 10000 : i32
    %mul3A_4 = arith.muli %add3A, %mul3A_3 : i32
    %iota3A = tpu.iota {dimensions = array<i32: 0>} : vector<16xi32>
    %broadcast_in_dim3A = arith.constant 64 : i32
    %broadcast_in_dim3A_5 = vector.broadcast %broadcast_in_dim3A : i32 to vector<16xi32>
    %broadcast_in_dim3A_6 = arith.constant 65 : i32
    %broadcast_in_dim3A_7 = vector.broadcast %broadcast_in_dim3A_6 : i32 to vector<16xi32>
    %min3A = arith.constant 0 : i32
    %min3A_8 = arith.constant 124 : i32
    %min3A_9 = arith.minsi %min3A, %min3A_8 : i32
    %mul3A_10 = arith.constant 80 : i32
    %mul3A_11 = arith.muli %min3A_9, %mul3A_10 : i32
    %add3A_12 = arith.addi %mul3A_4, %mul3A_11 : i32
    %dma_start3A = tpu.memref_slice %arg6[%add3A_12] : memref<320000xi32, #tpu.memory_space<hbm>> -> memref<80xi32, #tpu.memory_space<hbm>>
    %dma_start3A_13 = tpu.memref_slice %arg6[%add3A_12] : memref<320000xi32, #tpu.memory_space<hbm>> -> memref<80xi32, #tpu.memory_space<hbm>>
    tpu.enqueue_dma source(%dma_start3A_13 : memref<80xi32, #tpu.memory_space<hbm>>) target(%arg11 : memref<80xi32, #tpu.memory_space<vmem>>) target_semaphore(%arg23 : memref<!tpu.dma_semaphore, #tpu.memory_space<semaphore_mem>>)
    %dma_start3A_14 = tpu.memref_slice %arg7[%add3A_12] : memref<320000xi32, #tpu.memory_space<hbm>> -> memref<80xi32, #tpu.memory_space<hbm>>
    %dma_start3A_15 = tpu.memref_slice %arg7[%add3A_12] : memref<320000xi32, #tpu.memory_space<hbm>> -> memref<80xi32, #tpu.memory_space<hbm>>
    tpu.enqueue_dma source(%dma_start3A_15 : memref<80xi32, #tpu.memory_space<hbm>>) target(%arg12 : memref<80xi32, #tpu.memory_space<vmem>>) target_semaphore(%arg23 : memref<!tpu.dma_semaphore, #tpu.memory_space<semaphore_mem>>)
    %dma_start3A_16 = tpu.memref_slice %arg8[%add3A_12] : memref<320000xi32, #tpu.memory_space<hbm>> -> memref<80xi32, #tpu.memory_space<hbm>>
    %dma_start3A_17 = tpu.memref_slice %arg8[%add3A_12] : memref<320000xi32, #tpu.memory_space<hbm>> -> memref<80xi32, #tpu.memory_space<hbm>>
    tpu.enqueue_dma source(%dma_start3A_17 : memref<80xi32, #tpu.memory_space<hbm>>) target(%arg13 : memref<80xi32, #tpu.memory_space<vmem>>) target_semaphore(%arg23 : memref<!tpu.dma_semaphore, #tpu.memory_space<semaphore_mem>>)
    %dma_wait3A = arith.constant 0 : i32
    %dma_wait3A_18 = tpu.memref_slice %arg6[%dma_wait3A] : memref<320000xi32, #tpu.memory_space<hbm>> -> memref<80xi32, #tpu.memory_space<hbm>>
    %dma_wait3A_19 = arith.constant 0 : i32
    %dma_wait3A_20 = tpu.memref_slice %arg6[%dma_wait3A_19] : memref<320000xi32, #tpu.memory_space<hbm>> -> memref<80xi32, #tpu.memory_space<hbm>>
    tpu.wait_dma2 semaphore(%arg23 : memref<!tpu.dma_semaphore, #tpu.memory_space<semaphore_mem>>) src(%dma_wait3A_20 : memref<80xi32, #tpu.memory_space<hbm>>) dst(%arg11 : memref<80xi32, #tpu.memory_space<vmem>>)
    %dma_wait3A_21 = arith.constant 0 : i32
    %dma_wait3A_22 = tpu.memref_slice %arg7[%dma_wait3A_21] : memref<320000xi32, #tpu.memory_space<hbm>> -> memref<80xi32, #tpu.memory_space<hbm>>
    %dma_wait3A_23 = arith.constant 0 : i32
    %dma_wait3A_24 = tpu.memref_slice %arg7[%dma_wait3A_23] : memref<320000xi32, #tpu.memory_space<hbm>> -> memref<80xi32, #tpu.memory_space<hbm>>
    tpu.wait_dma2 semaphore(%arg23 : memref<!tpu.dma_semaphore, #tpu.memory_space<semaphore_mem>>) src(%dma_wait3A_24 : memref<80xi32, #tpu.memory_space<hbm>>) dst(%arg12 : memref<80xi32, #tpu.memory_space<vmem>>)
    %dma_wait3A_25 = arith.constant 0 : i32
    %dma_wait3A_26 = tpu.memref_slice %arg8[%dma_wait3A_25] : memref<320000xi32, #tpu.memory_space<hbm>> -> memref<80xi32, #tpu.memory_space<hbm>>
    %dma_wait3A_27 = arith.constant 0 : i32
    %dma_wait3A_28 = tpu.memref_slice %arg8[%dma_wait3A_27] : memref<320000xi32, #tpu.memory_space<hbm>> -> memref<80xi32, #tpu.memory_space<hbm>>
    tpu.wait_dma2 semaphore(%arg23 : memref<!tpu.dma_semaphore, #tpu.memory_space<semaphore_mem>>) src(%dma_wait3A_28 : memref<80xi32, #tpu.memory_space<hbm>>) dst(%arg13 : memref<80xi32, #tpu.memory_space<vmem>>)
    %dma_start3A_29 = arith.constant 0 : i32
    %dma_start3A_30 = arith.constant 0 : i32
    %dma_start3A_31 = tpu.memref_slice %arg2[%dma_start3A_29, %dma_start3A_30] : memref<10000x128xf32, #tpu.memory_space<hbm>> -> memref<10000x128xf32, #tpu.memory_space<hbm>>
    tpu.enqueue_indirect_dma source(%dma_start3A_31 : memref<10000x128xf32, #tpu.memory_space<hbm>>) target(%arg14 : memref<80x128xf32, #tpu.memory_space<vmem>>) offsets(%arg11 : memref<80xi32, #tpu.memory_space<vmem>>) semaphore(%arg24 : memref<!tpu.dma_semaphore, #tpu.memory_space<semaphore_mem>>)
    %dma_wait3A_32 = arith.constant 0 : i32
    %dma_wait3A_33 = arith.constant 0 : i32
    %dma_wait3A_34 = tpu.memref_slice %arg2[%dma_wait3A_32, %dma_wait3A_33] : memref<10000x128xf32, #tpu.memory_space<hbm>> -> memref<10000x128xf32, #tpu.memory_space<hbm>>
    tpu.wait_indirect_dma semaphore(%arg24 : memref<!tpu.dma_semaphore, #tpu.memory_space<semaphore_mem>>) src(%dma_wait3A_34 : memref<10000x128xf32, #tpu.memory_space<hbm>>) dst(%arg14 : memref<80x128xf32, #tpu.memory_space<vmem>>)
    %min3A_35 = arith.constant 1 : i32
    %min3A_36 = arith.constant 124 : i32
    %min3A_37 = arith.minsi %min3A_35, %min3A_36 : i32
    %mul3A_38 = arith.constant 80 : i32
    %mul3A_39 = arith.muli %min3A_37, %mul3A_38 : i32
    %add3A_40 = arith.addi %mul3A_4, %mul3A_39 : i32
    %dma_start3A_41 = tpu.memref_slice %arg6[%add3A_40] : memref<320000xi32, #tpu.memory_space<hbm>> -> memref<80xi32, #tpu.memory_space<hbm>>
    %dma_start3A_42 = tpu.memref_slice %arg6[%add3A_40] : memref<320000xi32, #tpu.memory_space<hbm>> -> memref<80xi32, #tpu.memory_space<hbm>>
    tpu.enqueue_dma source(%dma_start3A_42 : memref<80xi32, #tpu.memory_space<hbm>>) target(%arg15 : memref<80xi32, #tpu.memory_space<vmem>>) target_semaphore(%arg23 : memref<!tpu.dma_semaphore, #tpu.memory_space<semaphore_mem>>)
    %dma_start3A_43 = tpu.memref_slice %arg7[%add3A_40] : memref<320000xi32, #tpu.memory_space<hbm>> -> memref<80xi32, #tpu.memory_space<hbm>>
    %dma_start3A_44 = tpu.memref_slice %arg7[%add3A_40] : memref<320000xi32, #tpu.memory_space<hbm>> -> memref<80xi32, #tpu.memory_space<hbm>>
    tpu.enqueue_dma source(%dma_start3A_44 : memref<80xi32, #tpu.memory_space<hbm>>) target(%arg16 : memref<80xi32, #tpu.memory_space<vmem>>) target_semaphore(%arg23 : memref<!tpu.dma_semaphore, #tpu.memory_space<semaphore_mem>>)
    %dma_start3A_45 = tpu.memref_slice %arg8[%add3A_40] : memref<320000xi32, #tpu.memory_space<hbm>> -> memref<80xi32, #tpu.memory_space<hbm>>
    %dma_start3A_46 = tpu.memref_slice %arg8[%add3A_40] : memref<320000xi32, #tpu.memory_space<hbm>> -> memref<80xi32, #tpu.memory_space<hbm>>
    tpu.enqueue_dma source(%dma_start3A_46 : memref<80xi32, #tpu.memory_space<hbm>>) target(%arg17 : memref<80xi32, #tpu.memory_space<vmem>>) target_semaphore(%arg23 : memref<!tpu.dma_semaphore, #tpu.memory_space<semaphore_mem>>)
    %scan3A = arith.constant 0 : i32
    %scan3A_47 = arith.constant 0 : i32
    %scan3A_48 = arith.constant 62 : i32
    %scan3A_49 = arith.addi %scan3A_47, %scan3A_48 : i32
    %scan3A_50 = arith.constant 1 : i32
    scf.for %scan3A_299 = %scan3A_47 to %scan3A_49 step %scan3A_50  : i32 {
      %mul3A_300 = arith.constant 2 : i32
      %mul3A_301 = arith.muli %mul3A_300, %scan3A_299 : i32
      %dma_wait3A_302 = arith.constant 0 : i32
      %dma_wait3A_303 = tpu.memref_slice %arg6[%dma_wait3A_302] : memref<320000xi32, #tpu.memory_space<hbm>> -> memref<80xi32, #tpu.memory_space<hbm>>
      %dma_wait3A_304 = arith.constant 0 : i32
      %dma_wait3A_305 = tpu.memref_slice %arg6[%dma_wait3A_304] : memref<320000xi32, #tpu.memory_space<hbm>> -> memref<80xi32, #tpu.memory_space<hbm>>
      tpu.wait_dma2 semaphore(%arg23 : memref<!tpu.dma_semaphore, #tpu.memory_space<semaphore_mem>>) src(%dma_wait3A_305 : memref<80xi32, #tpu.memory_space<hbm>>) dst(%arg15 : memref<80xi32, #tpu.memory_space<vmem>>)
      %dma_wait3A_306 = arith.constant 0 : i32
      %dma_wait3A_307 = tpu.memref_slice %arg7[%dma_wait3A_306] : memref<320000xi32, #tpu.memory_space<hbm>> -> memref<80xi32, #tpu.memory_space<hbm>>
      %dma_wait3A_308 = arith.constant 0 : i32
      %dma_wait3A_309 = tpu.memref_slice %arg7[%dma_wait3A_308] : memref<320000xi32, #tpu.memory_space<hbm>> -> memref<80xi32, #tpu.memory_space<hbm>>
      tpu.wait_dma2 semaphore(%arg23 : memref<!tpu.dma_semaphore, #tpu.memory_space<semaphore_mem>>) src(%dma_wait3A_309 : memref<80xi32, #tpu.memory_space<hbm>>) dst(%arg16 : memref<80xi32, #tpu.memory_space<vmem>>)
      %dma_wait3A_310 = arith.constant 0 : i32
      %dma_wait3A_311 = tpu.memref_slice %arg8[%dma_wait3A_310] : memref<320000xi32, #tpu.memory_space<hbm>> -> memref<80xi32, #tpu.memory_space<hbm>>
      %dma_wait3A_312 = arith.constant 0 : i32
      %dma_wait3A_313 = tpu.memref_slice %arg8[%dma_wait3A_312] : memref<320000xi32, #tpu.memory_space<hbm>> -> memref<80xi32, #tpu.memory_space<hbm>>
      tpu.wait_dma2 semaphore(%arg23 : memref<!tpu.dma_semaphore, #tpu.memory_space<semaphore_mem>>) src(%dma_wait3A_313 : memref<80xi32, #tpu.memory_space<hbm>>) dst(%arg17 : memref<80xi32, #tpu.memory_space<vmem>>)
      %dma_start3A_314 = arith.constant 0 : i32
      %dma_start3A_315 = arith.constant 0 : i32
      %dma_start3A_316 = tpu.memref_slice %arg2[%dma_start3A_314, %dma_start3A_315] : memref<10000x128xf32, #tpu.memory_space<hbm>> -> memref<10000x128xf32, #tpu.memory_space<hbm>>
      tpu.enqueue_indirect_dma source(%dma_start3A_316 : memref<10000x128xf32, #tpu.memory_space<hbm>>) target(%arg18 : memref<80x128xf32, #tpu.memory_space<vmem>>) offsets(%arg15 : memref<80xi32, #tpu.memory_space<vmem>>) semaphore(%arg24 : memref<!tpu.dma_semaphore, #tpu.memory_space<semaphore_mem>>)
      %add3A_317 = arith.constant 0 : i32
      %add3A_318 = vector.broadcast %add3A_317 : i32 to vector<16xi32>
      %add3A_319 = arith.addi %add3A_318, %iota3A : vector<16xi32>
      %get3A_320 = arith.constant 0 : index
      %get3A_321 = tpu.vector_load %arg13[%get3A_320] {strides = array<i32>} : memref<80xi32, #tpu.memory_space<vmem>>, vector<16xi32>,
      %mul3A_322 = arith.constant 2 : i32
      %mul3A_323 = vector.broadcast %mul3A_322 : i32 to vector<16xi32>
      %mul3A_324 = arith.muli %get3A_321, %mul3A_323 : vector<16xi32>
      %get3A_325 = arith.constant 0 : index
      %get3A_326 = tpu.vector_load %arg12[%get3A_325] {strides = array<i32>} : memref<80xi32, #tpu.memory_space<vmem>>, vector<16xi32>,
      %mul3A_327 = arith.constant 2 : i32
      %mul3A_328 = vector.broadcast %mul3A_327 : i32 to vector<16xi32>
      %mul3A_329 = arith.muli %get3A_326, %mul3A_328 : vector<16xi32>
      %gather3A_330 = tpu.vector_load_idx %arg14[%add3A_319, %broadcast_in_dim3A_5] : memref<80x128xf32, #tpu.memory_space<vmem>>[vector<16xi32>, vector<16xi32>], vector<16xf32>,
      %gather3A_331 = tpu.vector_load_idx %arg14[%add3A_319, %broadcast_in_dim3A_7] : memref<80x128xf32, #tpu.memory_space<vmem>>[vector<16xi32>, vector<16xi32>], vector<16xf32>,
      %gather3A_332 = tpu.vector_load_idx %arg19[%mul3A_329] : memref<20000xf32, #tpu.memory_space<vmem>>[vector<16xi32>], vector<16xf32>,
      %add3A_333 = arith.constant 1 : i32
      %add3A_334 = vector.broadcast %add3A_333 : i32 to vector<16xi32>
      %add3A_335 = arith.addi %mul3A_329, %add3A_334 : vector<16xi32>
      %gather3A_336 = tpu.vector_load_idx %arg19[%add3A_335] : memref<20000xf32, #tpu.memory_space<vmem>>[vector<16xi32>], vector<16xf32>,
      %gather3A_337 = tpu.vector_load_idx %arg22[%mul3A_324] : memref<32xf32, #tpu.memory_space<vmem>>[vector<16xi32>], vector<16xf32>,
      %add3A_338 = arith.constant 1 : i32
      %add3A_339 = vector.broadcast %add3A_338 : i32 to vector<16xi32>
      %add3A_340 = arith.addi %mul3A_324, %add3A_339 : vector<16xi32>
      %gather3A_341 = tpu.vector_load_idx %arg22[%add3A_340] : memref<32xf32, #tpu.memory_space<vmem>>[vector<16xi32>], vector<16xf32>,
      %add3A_342 = arith.addf %gather3A_330, %gather3A_332 : vector<16xf32>
      %add3A_343 = arith.addf %add3A_342, %gather3A_337 : vector<16xf32>
      %add3A_344 = arith.addf %gather3A_331, %gather3A_336 : vector<16xf32>
      %add3A_345 = arith.addf %add3A_344, %gather3A_341 : vector<16xf32>
      %mul3A_346 = arith.constant 2.000000e-01 : f32
      %mul3A_347 = vector.broadcast %mul3A_346 : f32 to vector<16xf32>
      %mul3A_348 = arith.mulf %mul3A_347, %add3A_343 : vector<16xf32>
      %max3A_349 = arith.maximumf %add3A_343, %mul3A_348 : vector<16xf32>
      %exp3A_350 = math.exp %max3A_349 : vector<16xf32>
      %mul3A_351 = arith.constant 2.000000e-01 : f32
      %mul3A_352 = vector.broadcast %mul3A_351 : f32 to vector<16xf32>
      %mul3A_353 = arith.mulf %mul3A_352, %add3A_345 : vector<16xf32>
      %max3A_354 = arith.maximumf %add3A_345, %mul3A_353 : vector<16xf32>
      %exp3A_355 = math.exp %max3A_354 : vector<16xf32>
      %swap3A_356 = arith.constant 0 : i32
      %swap3A_357 = arith.index_cast %swap3A_356 : i32 to index
      %swap3A_358 = arith.constant 0 : index
      %swap3A_359 = tpu.vector_load %arg20[%swap3A_357, %swap3A_358] {strides = array<i32>} : memref<2x80xf32, #tpu.memory_space<vmem>>, vector<16xf32>,
      tpu.vector_store %arg20[%swap3A_357, %swap3A_358], %exp3A_350 {strides = array<i32>} : memref<2x80xf32, #tpu.memory_space<vmem>>, vector<16xf32>,
      %swap3A_360 = arith.constant 1 : i32
      %swap3A_361 = arith.index_cast %swap3A_360 : i32 to index
      %swap3A_362 = arith.constant 0 : index
      %swap3A_363 = tpu.vector_load %arg20[%swap3A_361, %swap3A_362] {strides = array<i32>} : memref<2x80xf32, #tpu.memory_space<vmem>>, vector<16xf32>,
      tpu.vector_store %arg20[%swap3A_361, %swap3A_362], %exp3A_355 {strides = array<i32>} : memref<2x80xf32, #tpu.memory_space<vmem>>, vector<16xf32>,
      tpu.vector_store_idx %arg14[%add3A_319, %broadcast_in_dim3A_5], %exp3A_350 : memref<80x128xf32, #tpu.memory_space<vmem>>[vector<16xi32>, vector<16xi32>], vector<16xf32>,
      tpu.vector_store_idx %arg14[%add3A_319, %broadcast_in_dim3A_7], %exp3A_355 : memref<80x128xf32, #tpu.memory_space<vmem>>[vector<16xi32>, vector<16xi32>], vector<16xf32>,
      %add3A_364 = arith.constant 16 : i32
      %add3A_365 = vector.broadcast %add3A_364 : i32 to vector<16xi32>
      %add3A_366 = arith.addi %add3A_365, %iota3A : vector<16xi32>
      %get3A_367 = arith.constant 16 : index
      %get3A_368 = tpu.vector_load %arg13[%get3A_367] {strides = array<i32>} : memref<80xi32, #tpu.memory_space<vmem>>, vector<16xi32>,
      %mul3A_369 = arith.constant 2 : i32
      %mul3A_370 = vector.broadcast %mul3A_369 : i32 to vector<16xi32>
      %mul3A_371 = arith.muli %get3A_368, %mul3A_370 : vector<16xi32>
      %get3A_372 = arith.constant 16 : index
      %get3A_373 = tpu.vector_load %arg12[%get3A_372] {strides = array<i32>} : memref<80xi32, #tpu.memory_space<vmem>>, vector<16xi32>,
      %mul3A_374 = arith.constant 2 : i32
      %mul3A_375 = vector.broadcast %mul3A_374 : i32 to vector<16xi32>
      %mul3A_376 = arith.muli %get3A_373, %mul3A_375 : vector<16xi32>
      %gather3A_377 = tpu.vector_load_idx %arg14[%add3A_366, %broadcast_in_dim3A_5] : memref<80x128xf32, #tpu.memory_space<vmem>>[vector<16xi32>, vector<16xi32>], vector<16xf32>,
      %gather3A_378 = tpu.vector_load_idx %arg14[%add3A_366, %broadcast_in_dim3A_7] : memref<80x128xf32, #tpu.memory_space<vmem>>[vector<16xi32>, vector<16xi32>], vector<16xf32>,
      %gather3A_379 = tpu.vector_load_idx %arg19[%mul3A_376] : memref<20000xf32, #tpu.memory_space<vmem>>[vector<16xi32>], vector<16xf32>,
      %add3A_380 = arith.constant 1 : i32
      %add3A_381 = vector.broadcast %add3A_380 : i32 to vector<16xi32>
      %add3A_382 = arith.addi %mul3A_376, %add3A_381 : vector<16xi32>
      %gather3A_383 = tpu.vector_load_idx %arg19[%add3A_382] : memref<20000xf32, #tpu.memory_space<vmem>>[vector<16xi32>], vector<16xf32>,
      %gather3A_384 = tpu.vector_load_idx %arg22[%mul3A_371] : memref<32xf32, #tpu.memory_space<vmem>>[vector<16xi32>], vector<16xf32>,
      %add3A_385 = arith.constant 1 : i32
      %add3A_386 = vector.broadcast %add3A_385 : i32 to vector<16xi32>
      %add3A_387 = arith.addi %mul3A_371, %add3A_386 : vector<16xi32>
      %gather3A_388 = tpu.vector_load_idx %arg22[%add3A_387] : memref<32xf32, #tpu.memory_space<vmem>>[vector<16xi32>], vector<16xf32>,
      %add3A_389 = arith.addf %gather3A_377, %gather3A_379 : vector<16xf32>
      %add3A_390 = arith.addf %add3A_389, %gather3A_384 : vector<16xf32>
      %add3A_391 = arith.addf %gather3A_378, %gather3A_383 : vector<16xf32>
      %add3A_392 = arith.addf %add3A_391, %gather3A_388 : vector<16xf32>
      %mul3A_393 = arith.constant 2.000000e-01 : f32
      %mul3A_394 = vector.broadcast %mul3A_393 : f32 to vector<16xf32>
      %mul3A_395 = arith.mulf %mul3A_394, %add3A_390 : vector<16xf32>
      %max3A_396 = arith.maximumf %add3A_390, %mul3A_395 : vector<16xf32>
      %exp3A_397 = math.exp %max3A_396 : vector<16xf32>
      %mul3A_398 = arith.constant 2.000000e-01 : f32
      %mul3A_399 = vector.broadcast %mul3A_398 : f32 to vector<16xf32>
      %mul3A_400 = arith.mulf %mul3A_399, %add3A_392 : vector<16xf32>
      %max3A_401 = arith.maximumf %add3A_392, %mul3A_400 : vector<16xf32>
      %exp3A_402 = math.exp %max3A_401 : vector<16xf32>
      %swap3A_403 = arith.constant 0 : i32
      %swap3A_404 = arith.index_cast %swap3A_403 : i32 to index
      %swap3A_405 = arith.constant 16 : index
      %swap3A_406 = tpu.vector_load %arg20[%swap3A_404, %swap3A_405] {strides = array<i32>} : memref<2x80xf32, #tpu.memory_space<vmem>>, vector<16xf32>,
      tpu.vector_store %arg20[%swap3A_404, %swap3A_405], %exp3A_397 {strides = array<i32>} : memref<2x80xf32, #tpu.memory_space<vmem>>, vector<16xf32>,
      %swap3A_407 = arith.constant 1 : i32
      %swap3A_408 = arith.index_cast %swap3A_407 : i32 to index
      %swap3A_409 = arith.constant 16 : index
      %swap3A_410 = tpu.vector_load %arg20[%swap3A_408, %swap3A_409] {strides = array<i32>} : memref<2x80xf32, #tpu.memory_space<vmem>>, vector<16xf32>,
      tpu.vector_store %arg20[%swap3A_408, %swap3A_409], %exp3A_402 {strides = array<i32>} : memref<2x80xf32, #tpu.memory_space<vmem>>, vector<16xf32>,
      tpu.vector_store_idx %arg14[%add3A_366, %broadcast_in_dim3A_5], %exp3A_397 : memref<80x128xf32, #tpu.memory_space<vmem>>[vector<16xi32>, vector<16xi32>], vector<16xf32>,
      tpu.vector_store_idx %arg14[%add3A_366, %broadcast_in_dim3A_7], %exp3A_402 : memref<80x128xf32, #tpu.memory_space<vmem>>[vector<16xi32>, vector<16xi32>], vector<16xf32>,
      %add3A_411 = arith.constant 32 : i32
      %add3A_412 = vector.broadcast %add3A_411 : i32 to vector<16xi32>
      %add3A_413 = arith.addi %add3A_412, %iota3A : vector<16xi32>
      %get3A_414 = arith.constant 32 : index
      %get3A_415 = tpu.vector_load %arg13[%get3A_414] {strides = array<i32>} : memref<80xi32, #tpu.memory_space<vmem>>, vector<16xi32>,
      %mul3A_416 = arith.constant 2 : i32
      %mul3A_417 = vector.broadcast %mul3A_416 : i32 to vector<16xi32>
      %mul3A_418 = arith.muli %get3A_415, %mul3A_417 : vector<16xi32>
      %get3A_419 = arith.constant 32 : index
      %get3A_420 = tpu.vector_load %arg12[%get3A_419] {strides = array<i32>} : memref<80xi32, #tpu.memory_space<vmem>>, vector<16xi32>,
      %mul3A_421 = arith.constant 2 : i32
      %mul3A_422 = vector.broadcast %mul3A_421 : i32 to vector<16xi32>
      %mul3A_423 = arith.muli %get3A_420, %mul3A_422 : vector<16xi32>
      %gather3A_424 = tpu.vector_load_idx %arg14[%add3A_413, %broadcast_in_dim3A_5] : memref<80x128xf32, #tpu.memory_space<vmem>>[vector<16xi32>, vector<16xi32>], vector<16xf32>,
      %gather3A_425 = tpu.vector_load_idx %arg14[%add3A_413, %broadcast_in_dim3A_7] : memref<80x128xf32, #tpu.memory_space<vmem>>[vector<16xi32>, vector<16xi32>], vector<16xf32>,
      %gather3A_426 = tpu.vector_load_idx %arg19[%mul3A_423] : memref<20000xf32, #tpu.memory_space<vmem>>[vector<16xi32>], vector<16xf32>,
      %add3A_427 = arith.constant 1 : i32
      %add3A_428 = vector.broadcast %add3A_427 : i32 to vector<16xi32>
      %add3A_429 = arith.addi %mul3A_423, %add3A_428 : vector<16xi32>
      %gather3A_430 = tpu.vector_load_idx %arg19[%add3A_429] : memref<20000xf32, #tpu.memory_space<vmem>>[vector<16xi32>], vector<16xf32>,
      %gather3A_431 = tpu.vector_load_idx %arg22[%mul3A_418] : memref<32xf32, #tpu.memory_space<vmem>>[vector<16xi32>], vector<16xf32>,
      %add3A_432 = arith.constant 1 : i32
      %add3A_433 = vector.broadcast %add3A_432 : i32 to vector<16xi32>
      %add3A_434 = arith.addi %mul3A_418, %add3A_433 : vector<16xi32>
      %gather3A_435 = tpu.vector_load_idx %arg22[%add3A_434] : memref<32xf32, #tpu.memory_space<vmem>>[vector<16xi32>], vector<16xf32>,
      %add3A_436 = arith.addf %gather3A_424, %gather3A_426 : vector<16xf32>
      %add3A_437 = arith.addf %add3A_436, %gather3A_431 : vector<16xf32>
      %add3A_438 = arith.addf %gather3A_425, %gather3A_430 : vector<16xf32>
      %add3A_439 = arith.addf %add3A_438, %gather3A_435 : vector<16xf32>
      %mul3A_440 = arith.constant 2.000000e-01 : f32
      %mul3A_441 = vector.broadcast %mul3A_440 : f32 to vector<16xf32>
      %mul3A_442 = arith.mulf %mul3A_441, %add3A_437 : vector<16xf32>
      %max3A_443 = arith.maximumf %add3A_437, %mul3A_442 : vector<16xf32>
      %exp3A_444 = math.exp %max3A_443 : vector<16xf32>
      %mul3A_445 = arith.constant 2.000000e-01 : f32
      %mul3A_446 = vector.broadcast %mul3A_445 : f32 to vector<16xf32>
      %mul3A_447 = arith.mulf %mul3A_446, %add3A_439 : vector<16xf32>
      %max3A_448 = arith.maximumf %add3A_439, %mul3A_447 : vector<16xf32>
      %exp3A_449 = math.exp %max3A_448 : vector<16xf32>
      %swap3A_450 = arith.constant 0 : i32
      %swap3A_451 = arith.index_cast %swap3A_450 : i32 to index
      %swap3A_452 = arith.constant 32 : index
      %swap3A_453 = tpu.vector_load %arg20[%swap3A_451, %swap3A_452] {strides = array<i32>} : memref<2x80xf32, #tpu.memory_space<vmem>>, vector<16xf32>,
      tpu.vector_store %arg20[%swap3A_451, %swap3A_452], %exp3A_444 {strides = array<i32>} : memref<2x80xf32, #tpu.memory_space<vmem>>, vector<16xf32>,
      %swap3A_454 = arith.constant 1 : i32
      %swap3A_455 = arith.index_cast %swap3A_454 : i32 to index
      %swap3A_456 = arith.constant 32 : index
      %swap3A_457 = tpu.vector_load %arg20[%swap3A_455, %swap3A_456] {strides = array<i32>} : memref<2x80xf32, #tpu.memory_space<vmem>>, vector<16xf32>,
      tpu.vector_store %arg20[%swap3A_455, %swap3A_456], %exp3A_449 {strides = array<i32>} : memref<2x80xf32, #tpu.memory_space<vmem>>, vector<16xf32>,
      tpu.vector_store_idx %arg14[%add3A_413, %broadcast_in_dim3A_5], %exp3A_444 : memref<80x128xf32, #tpu.memory_space<vmem>>[vector<16xi32>, vector<16xi32>], vector<16xf32>,
      tpu.vector_store_idx %arg14[%add3A_413, %broadcast_in_dim3A_7], %exp3A_449 : memref<80x128xf32, #tpu.memory_space<vmem>>[vector<16xi32>, vector<16xi32>], vector<16xf32>,
      %add3A_458 = arith.constant 48 : i32
      %add3A_459 = vector.broadcast %add3A_458 : i32 to vector<16xi32>
      %add3A_460 = arith.addi %add3A_459, %iota3A : vector<16xi32>
      %get3A_461 = arith.constant 48 : index
      %get3A_462 = tpu.vector_load %arg13[%get3A_461] {strides = array<i32>} : memref<80xi32, #tpu.memory_space<vmem>>, vector<16xi32>,
      %mul3A_463 = arith.constant 2 : i32
      %mul3A_464 = vector.broadcast %mul3A_463 : i32 to vector<16xi32>
      %mul3A_465 = arith.muli %get3A_462, %mul3A_464 : vector<16xi32>
      %get3A_466 = arith.constant 48 : index
      %get3A_467 = tpu.vector_load %arg12[%get3A_466] {strides = array<i32>} : memref<80xi32, #tpu.memory_space<vmem>>, vector<16xi32>,
      %mul3A_468 = arith.constant 2 : i32
      %mul3A_469 = vector.broadcast %mul3A_468 : i32 to vector<16xi32>
      %mul3A_470 = arith.muli %get3A_467, %mul3A_469 : vector<16xi32>
      %gather3A_471 = tpu.vector_load_idx %arg14[%add3A_460, %broadcast_in_dim3A_5] : memref<80x128xf32, #tpu.memory_space<vmem>>[vector<16xi32>, vector<16xi32>], vector<16xf32>,
      %gather3A_472 = tpu.vector_load_idx %arg14[%add3A_460, %broadcast_in_dim3A_7] : memref<80x128xf32, #tpu.memory_space<vmem>>[vector<16xi32>, vector<16xi32>], vector<16xf32>,
      %gather3A_473 = tpu.vector_load_idx %arg19[%mul3A_470] : memref<20000xf32, #tpu.memory_space<vmem>>[vector<16xi32>], vector<16xf32>,
      %add3A_474 = arith.constant 1 : i32
      %add3A_475 = vector.broadcast %add3A_474 : i32 to vector<16xi32>
      %add3A_476 = arith.addi %mul3A_470, %add3A_475 : vector<16xi32>
      %gather3A_477 = tpu.vector_load_idx %arg19[%add3A_476] : memref<20000xf32, #tpu.memory_space<vmem>>[vector<16xi32>], vector<16xf32>,
      %gather3A_478 = tpu.vector_load_idx %arg22[%mul3A_465] : memref<32xf32, #tpu.memory_space<vmem>>[vector<16xi32>], vector<16xf32>,
      %add3A_479 = arith.constant 1 : i32
      %add3A_480 = vector.broadcast %add3A_479 : i32 to vector<16xi32>
      %add3A_481 = arith.addi %mul3A_465, %add3A_480 : vector<16xi32>
      %gather3A_482 = tpu.vector_load_idx %arg22[%add3A_481] : memref<32xf32, #tpu.memory_space<vmem>>[vector<16xi32>], vector<16xf32>,
      %add3A_483 = arith.addf %gather3A_471, %gather3A_473 : vector<16xf32>
      %add3A_484 = arith.addf %add3A_483, %gather3A_478 : vector<16xf32>
      %add3A_485 = arith.addf %gather3A_472, %gather3A_477 : vector<16xf32>
      %add3A_486 = arith.addf %add3A_485, %gather3A_482 : vector<16xf32>
      %mul3A_487 = arith.constant 2.000000e-01 : f32
      %mul3A_488 = vector.broadcast %mul3A_487 : f32 to vector<16xf32>
      %mul3A_489 = arith.mulf %mul3A_488, %add3A_484 : vector<16xf32>
      %max3A_490 = arith.maximumf %add3A_484, %mul3A_489 : vector<16xf32>
      %exp3A_491 = math.exp %max3A_490 : vector<16xf32>
      %mul3A_492 = arith.constant 2.000000e-01 : f32
      %mul3A_493 = vector.broadcast %mul3A_492 : f32 to vector<16xf32>
      %mul3A_494 = arith.mulf %mul3A_493, %add3A_486 : vector<16xf32>
      %max3A_495 = arith.maximumf %add3A_486, %mul3A_494 : vector<16xf32>
      %exp3A_496 = math.exp %max3A_495 : vector<16xf32>
      %swap3A_497 = arith.constant 0 : i32
      %swap3A_498 = arith.index_cast %swap3A_497 : i32 to index
      %swap3A_499 = arith.constant 48 : index
      %swap3A_500 = tpu.vector_load %arg20[%swap3A_498, %swap3A_499] {strides = array<i32>} : memref<2x80xf32, #tpu.memory_space<vmem>>, vector<16xf32>,
      tpu.vector_store %arg20[%swap3A_498, %swap3A_499], %exp3A_491 {strides = array<i32>} : memref<2x80xf32, #tpu.memory_space<vmem>>, vector<16xf32>,
      %swap3A_501 = arith.constant 1 : i32
      %swap3A_502 = arith.index_cast %swap3A_501 : i32 to index
      %swap3A_503 = arith.constant 48 : index
      %swap3A_504 = tpu.vector_load %arg20[%swap3A_502, %swap3A_503] {strides = array<i32>} : memref<2x80xf32, #tpu.memory_space<vmem>>, vector<16xf32>,
      tpu.vector_store %arg20[%swap3A_502, %swap3A_503], %exp3A_496 {strides = array<i32>} : memref<2x80xf32, #tpu.memory_space<vmem>>, vector<16xf32>,
      tpu.vector_store_idx %arg14[%add3A_460, %broadcast_in_dim3A_5], %exp3A_491 : memref<80x128xf32, #tpu.memory_space<vmem>>[vector<16xi32>, vector<16xi32>], vector<16xf32>,
      tpu.vector_store_idx %arg14[%add3A_460, %broadcast_in_dim3A_7], %exp3A_496 : memref<80x128xf32, #tpu.memory_space<vmem>>[vector<16xi32>, vector<16xi32>], vector<16xf32>,
      %add3A_505 = arith.constant 64 : i32
      %add3A_506 = vector.broadcast %add3A_505 : i32 to vector<16xi32>
      %add3A_507 = arith.addi %add3A_506, %iota3A : vector<16xi32>
      %get3A_508 = arith.constant 64 : index
      %get3A_509 = tpu.vector_load %arg13[%get3A_508] {strides = array<i32>} : memref<80xi32, #tpu.memory_space<vmem>>, vector<16xi32>,
      %mul3A_510 = arith.constant 2 : i32
      %mul3A_511 = vector.broadcast %mul3A_510 : i32 to vector<16xi32>
      %mul3A_512 = arith.muli %get3A_509, %mul3A_511 : vector<16xi32>
      %get3A_513 = arith.constant 64 : index
      %get3A_514 = tpu.vector_load %arg12[%get3A_513] {strides = array<i32>} : memref<80xi32, #tpu.memory_space<vmem>>, vector<16xi32>,
      %mul3A_515 = arith.constant 2 : i32
      %mul3A_516 = vector.broadcast %mul3A_515 : i32 to vector<16xi32>
      %mul3A_517 = arith.muli %get3A_514, %mul3A_516 : vector<16xi32>
      %gather3A_518 = tpu.vector_load_idx %arg14[%add3A_507, %broadcast_in_dim3A_5] : memref<80x128xf32, #tpu.memory_space<vmem>>[vector<16xi32>, vector<16xi32>], vector<16xf32>,
      %gather3A_519 = tpu.vector_load_idx %arg14[%add3A_507, %broadcast_in_dim3A_7] : memref<80x128xf32, #tpu.memory_space<vmem>>[vector<16xi32>, vector<16xi32>], vector<16xf32>,
      %gather3A_520 = tpu.vector_load_idx %arg19[%mul3A_517] : memref<20000xf32, #tpu.memory_space<vmem>>[vector<16xi32>], vector<16xf32>,
      %add3A_521 = arith.constant 1 : i32
      %add3A_522 = vector.broadcast %add3A_521 : i32 to vector<16xi32>
      %add3A_523 = arith.addi %mul3A_517, %add3A_522 : vector<16xi32>
      %gather3A_524 = tpu.vector_load_idx %arg19[%add3A_523] : memref<20000xf32, #tpu.memory_space<vmem>>[vector<16xi32>], vector<16xf32>,
      %gather3A_525 = tpu.vector_load_idx %arg22[%mul3A_512] : memref<32xf32, #tpu.memory_space<vmem>>[vector<16xi32>], vector<16xf32>,
      %add3A_526 = arith.constant 1 : i32
      %add3A_527 = vector.broadcast %add3A_526 : i32 to vector<16xi32>
      %add3A_528 = arith.addi %mul3A_512, %add3A_527 : vector<16xi32>
      %gather3A_529 = tpu.vector_load_idx %arg22[%add3A_528] : memref<32xf32, #tpu.memory_space<vmem>>[vector<16xi32>], vector<16xf32>,
      %add3A_530 = arith.addf %gather3A_518, %gather3A_520 : vector<16xf32>
      %add3A_531 = arith.addf %add3A_530, %gather3A_525 : vector<16xf32>
      %add3A_532 = arith.addf %gather3A_519, %gather3A_524 : vector<16xf32>
      %add3A_533 = arith.addf %add3A_532, %gather3A_529 : vector<16xf32>
      %mul3A_534 = arith.constant 2.000000e-01 : f32
      %mul3A_535 = vector.broadcast %mul3A_534 : f32 to vector<16xf32>
      %mul3A_536 = arith.mulf %mul3A_535, %add3A_531 : vector<16xf32>
      %max3A_537 = arith.maximumf %add3A_531, %mul3A_536 : vector<16xf32>
      %exp3A_538 = math.exp %max3A_537 : vector<16xf32>
      %mul3A_539 = arith.constant 2.000000e-01 : f32
      %mul3A_540 = vector.broadcast %mul3A_539 : f32 to vector<16xf32>
      %mul3A_541 = arith.mulf %mul3A_540, %add3A_533 : vector<16xf32>
      %max3A_542 = arith.maximumf %add3A_533, %mul3A_541 : vector<16xf32>
      %exp3A_543 = math.exp %max3A_542 : vector<16xf32>
      %swap3A_544 = arith.constant 0 : i32
      %swap3A_545 = arith.index_cast %swap3A_544 : i32 to index
      %swap3A_546 = arith.constant 64 : index
      %swap3A_547 = tpu.vector_load %arg20[%swap3A_545, %swap3A_546] {strides = array<i32>} : memref<2x80xf32, #tpu.memory_space<vmem>>, vector<16xf32>,
      tpu.vector_store %arg20[%swap3A_545, %swap3A_546], %exp3A_538 {strides = array<i32>} : memref<2x80xf32, #tpu.memory_space<vmem>>, vector<16xf32>,
      %swap3A_548 = arith.constant 1 : i32
      %swap3A_549 = arith.index_cast %swap3A_548 : i32 to index
      %swap3A_550 = arith.constant 64 : index
      %swap3A_551 = tpu.vector_load %arg20[%swap3A_549, %swap3A_550] {strides = array<i32>} : memref<2x80xf32, #tpu.memory_space<vmem>>, vector<16xf32>,
      tpu.vector_store %arg20[%swap3A_549, %swap3A_550], %exp3A_543 {strides = array<i32>} : memref<2x80xf32, #tpu.memory_space<vmem>>, vector<16xf32>,
      tpu.vector_store_idx %arg14[%add3A_507, %broadcast_in_dim3A_5], %exp3A_538 : memref<80x128xf32, #tpu.memory_space<vmem>>[vector<16xi32>, vector<16xi32>], vector<16xf32>,
      tpu.vector_store_idx %arg14[%add3A_507, %broadcast_in_dim3A_7], %exp3A_543 : memref<80x128xf32, #tpu.memory_space<vmem>>[vector<16xi32>, vector<16xi32>], vector<16xf32>,
      "tpu.region"() ({
        %run_scoped3A = tpu.sem_alloc : memref<!tpu.dma_semaphore, #tpu.memory_space<semaphore_mem>>
        %dma_start3A_838 = arith.constant 0 : i32
        %dma_start3A_839 = arith.constant 0 : i32
        %dma_start3A_840 = tpu.memref_slice %arg25[%dma_start3A_838, %dma_start3A_839] : memref<10112x128xf32, #tpu.memory_space<vmem_shared>> -> memref<10112x128xf32, #tpu.memory_space<vmem_shared>>
        tpu.enqueue_indirect_dma source(%arg14 : memref<80x128xf32, #tpu.memory_space<vmem>>) target(%dma_start3A_840 : memref<10112x128xf32, #tpu.memory_space<vmem_shared>>) offsets(%arg12 : memref<80xi32, #tpu.memory_space<vmem>>) semaphore(%run_scoped3A : memref<!tpu.dma_semaphore, #tpu.memory_space<semaphore_mem>>) {add = true}
        %dma_wait3A_841 = arith.constant 0 : i32
        %dma_wait3A_842 = arith.constant 0 : i32
        %dma_wait3A_843 = tpu.memref_slice %arg25[%dma_wait3A_841, %dma_wait3A_842] : memref<10112x128xf32, #tpu.memory_space<vmem_shared>> -> memref<10112x128xf32, #tpu.memory_space<vmem_shared>>
        tpu.wait_indirect_dma semaphore(%run_scoped3A : memref<!tpu.dma_semaphore, #tpu.memory_space<semaphore_mem>>) src(%arg14 : memref<80x128xf32, #tpu.memory_space<vmem>>) dst(%dma_wait3A_843 : memref<10112x128xf32, #tpu.memory_space<vmem_shared>>)
        tpu.yield
      }) : () -> ()
      %add3A_552 = arith.constant 2 : i32
      %add3A_553 = arith.addi %mul3A_301, %add3A_552 : i32
      %min3A_554 = arith.constant 124 : i32
      %min3A_555 = arith.minsi %add3A_553, %min3A_554 : i32
      %mul3A_556 = arith.constant 80 : i32
      %mul3A_557 = arith.muli %min3A_555, %mul3A_556 : i32
      %add3A_558 = arith.addi %mul3A_4, %mul3A_557 : i32
      %dma_start3A_559 = tpu.memref_slice %arg6[%add3A_558] : memref<320000xi32, #tpu.memory_space<hbm>> -> memref<80xi32, #tpu.memory_space<hbm>>
      %dma_start3A_560 = tpu.memref_slice %arg6[%add3A_558] : memref<320000xi32, #tpu.memory_space<hbm>> -> memref<80xi32, #tpu.memory_space<hbm>>
      tpu.enqueue_dma source(%dma_start3A_560 : memref<80xi32, #tpu.memory_space<hbm>>) target(%arg11 : memref<80xi32, #tpu.memory_space<vmem>>) target_semaphore(%arg23 : memref<!tpu.dma_semaphore, #tpu.memory_space<semaphore_mem>>)
      %dma_start3A_561 = tpu.memref_slice %arg7[%add3A_558] : memref<320000xi32, #tpu.memory_space<hbm>> -> memref<80xi32, #tpu.memory_space<hbm>>
      %dma_start3A_562 = tpu.memref_slice %arg7[%add3A_558] : memref<320000xi32, #tpu.memory_space<hbm>> -> memref<80xi32, #tpu.memory_space<hbm>>
      tpu.enqueue_dma source(%dma_start3A_562 : memref<80xi32, #tpu.memory_space<hbm>>) target(%arg12 : memref<80xi32, #tpu.memory_space<vmem>>) target_semaphore(%arg23 : memref<!tpu.dma_semaphore, #tpu.memory_space<semaphore_mem>>)
      %dma_start3A_563 = tpu.memref_slice %arg8[%add3A_558] : memref<320000xi32, #tpu.memory_space<hbm>> -> memref<80xi32, #tpu.memory_space<hbm>>
      %dma_start3A_564 = tpu.memref_slice %arg8[%add3A_558] : memref<320000xi32, #tpu.memory_space<hbm>> -> memref<80xi32, #tpu.memory_space<hbm>>
      tpu.enqueue_dma source(%dma_start3A_564 : memref<80xi32, #tpu.memory_space<hbm>>) target(%arg13 : memref<80xi32, #tpu.memory_space<vmem>>) target_semaphore(%arg23 : memref<!tpu.dma_semaphore, #tpu.memory_space<semaphore_mem>>)
      %dma_wait3A_565 = arith.constant 0 : i32
      %dma_wait3A_566 = arith.constant 0 : i32
      %dma_wait3A_567 = tpu.memref_slice %arg2[%dma_wait3A_565, %dma_wait3A_566] : memref<10000x128xf32, #tpu.memory_space<hbm>> -> memref<10000x128xf32, #tpu.memory_space<hbm>>
      tpu.wait_indirect_dma semaphore(%arg24 : memref<!tpu.dma_semaphore, #tpu.memory_space<semaphore_mem>>) src(%dma_wait3A_567 : memref<10000x128xf32, #tpu.memory_space<hbm>>) dst(%arg18 : memref<80x128xf32, #tpu.memory_space<vmem>>)
      %mul3A_568 = arith.constant 2 : i32
      %mul3A_569 = arith.muli %mul3A_568, %scan3A_299 : i32
      %add3A_570 = arith.constant 1 : i32
      %add3A_571 = arith.addi %mul3A_569, %add3A_570 : i32
      %dma_wait3A_572 = arith.constant 0 : i32
      %dma_wait3A_573 = tpu.memref_slice %arg6[%dma_wait3A_572] : memref<320000xi32, #tpu.memory_space<hbm>> -> memref<80xi32, #tpu.memory_space<hbm>>
      %dma_wait3A_574 = arith.constant 0 : i32
      %dma_wait3A_575 = tpu.memref_slice %arg6[%dma_wait3A_574] : memref<320000xi32, #tpu.memory_space<hbm>> -> memref<80xi32, #tpu.memory_space<hbm>>
      tpu.wait_dma2 semaphore(%arg23 : memref<!tpu.dma_semaphore, #tpu.memory_space<semaphore_mem>>) src(%dma_wait3A_575 : memref<80xi32, #tpu.memory_space<hbm>>) dst(%arg11 : memref<80xi32, #tpu.memory_space<vmem>>)
      %dma_wait3A_576 = arith.constant 0 : i32
      %dma_wait3A_577 = tpu.memref_slice %arg7[%dma_wait3A_576] : memref<320000xi32, #tpu.memory_space<hbm>> -> memref<80xi32, #tpu.memory_space<hbm>>
      %dma_wait3A_578 = arith.constant 0 : i32
      %dma_wait3A_579 = tpu.memref_slice %arg7[%dma_wait3A_578] : memref<320000xi32, #tpu.memory_space<hbm>> -> memref<80xi32, #tpu.memory_space<hbm>>
      tpu.wait_dma2 semaphore(%arg23 : memref<!tpu.dma_semaphore, #tpu.memory_space<semaphore_mem>>) src(%dma_wait3A_579 : memref<80xi32, #tpu.memory_space<hbm>>) dst(%arg12 : memref<80xi32, #tpu.memory_space<vmem>>)
      %dma_wait3A_580 = arith.constant 0 : i32
      %dma_wait3A_581 = tpu.memref_slice %arg8[%dma_wait3A_580] : memref<320000xi32, #tpu.memory_space<hbm>> -> memref<80xi32, #tpu.memory_space<hbm>>
      %dma_wait3A_582 = arith.constant 0 : i32
      %dma_wait3A_583 = tpu.memref_slice %arg8[%dma_wait3A_582] : memref<320000xi32, #tpu.memory_space<hbm>> -> memref<80xi32, #tpu.memory_space<hbm>>
      tpu.wait_dma2 semaphore(%arg23 : memref<!tpu.dma_semaphore, #tpu.memory_space<semaphore_mem>>) src(%dma_wait3A_583 : memref<80xi32, #tpu.memory_space<hbm>>) dst(%arg13 : memref<80xi32, #tpu.memory_space<vmem>>)
      %dma_start3A_584 = arith.constant 0 : i32
      %dma_start3A_585 = arith.constant 0 : i32
      %dma_start3A_586 = tpu.memref_slice %arg2[%dma_start3A_584, %dma_start3A_585] : memref<10000x128xf32, #tpu.memory_space<hbm>> -> memref<10000x128xf32, #tpu.memory_space<hbm>>
      tpu.enqueue_indirect_dma source(%dma_start3A_586 : memref<10000x128xf32, #tpu.memory_space<hbm>>) target(%arg14 : memref<80x128xf32, #tpu.memory_space<vmem>>) offsets(%arg11 : memref<80xi32, #tpu.memory_space<vmem>>) semaphore(%arg24 : memref<!tpu.dma_semaphore, #tpu.memory_space<semaphore_mem>>)
      %add3A_587 = arith.constant 0 : i32
      %add3A_588 = vector.broadcast %add3A_587 : i32 to vector<16xi32>
      %add3A_589 = arith.addi %add3A_588, %iota3A : vector<16xi32>
      %get3A_590 = arith.constant 0 : index
      %get3A_591 = tpu.vector_load %arg17[%get3A_590] {strides = array<i32>} : memref<80xi32, #tpu.memory_space<vmem>>, vector<16xi32>,
      %mul3A_592 = arith.constant 2 : i32
      %mul3A_593 = vector.broadcast %mul3A_592 : i32 to vector<16xi32>
      %mul3A_594 = arith.muli %get3A_591, %mul3A_593 : vector<16xi32>
      %get3A_595 = arith.constant 0 : index
      %get3A_596 = tpu.vector_load %arg16[%get3A_595] {strides = array<i32>} : memref<80xi32, #tpu.memory_space<vmem>>, vector<16xi32>,
      %mul3A_597 = arith.constant 2 : i32
      %mul3A_598 = vector.broadcast %mul3A_597 : i32 to vector<16xi32>
      %mul3A_599 = arith.muli %get3A_596, %mul3A_598 : vector<16xi32>
      %gather3A_600 = tpu.vector_load_idx %arg18[%add3A_589, %broadcast_in_dim3A_5] : memref<80x128xf32, #tpu.memory_space<vmem>>[vector<16xi32>, vector<16xi32>], vector<16xf32>,
      %gather3A_601 = tpu.vector_load_idx %arg18[%add3A_589, %broadcast_in_dim3A_7] : memref<80x128xf32, #tpu.memory_space<vmem>>[vector<16xi32>, vector<16xi32>], vector<16xf32>,
      %gather3A_602 = tpu.vector_load_idx %arg19[%mul3A_599] : memref<20000xf32, #tpu.memory_space<vmem>>[vector<16xi32>], vector<16xf32>,
      %add3A_603 = arith.constant 1 : i32
      %add3A_604 = vector.broadcast %add3A_603 : i32 to vector<16xi32>
      %add3A_605 = arith.addi %mul3A_599, %add3A_604 : vector<16xi32>
      %gather3A_606 = tpu.vector_load_idx %arg19[%add3A_605] : memref<20000xf32, #tpu.memory_space<vmem>>[vector<16xi32>], vector<16xf32>,
      %gather3A_607 = tpu.vector_load_idx %arg22[%mul3A_594] : memref<32xf32, #tpu.memory_space<vmem>>[vector<16xi32>], vector<16xf32>,
      %add3A_608 = arith.constant 1 : i32
      %add3A_609 = vector.broadcast %add3A_608 : i32 to vector<16xi32>
      %add3A_610 = arith.addi %mul3A_594, %add3A_609 : vector<16xi32>
      %gather3A_611 = tpu.vector_load_idx %arg22[%add3A_610] : memref<32xf32, #tpu.memory_space<vmem>>[vector<16xi32>], vector<16xf32>,
      %add3A_612 = arith.addf %gather3A_600, %gather3A_602 : vector<16xf32>
      %add3A_613 = arith.addf %add3A_612, %gather3A_607 : vector<16xf32>
      %add3A_614 = arith.addf %gather3A_601, %gather3A_606 : vector<16xf32>
      %add3A_615 = arith.addf %add3A_614, %gather3A_611 : vector<16xf32>
      %mul3A_616 = arith.constant 2.000000e-01 : f32
      %mul3A_617 = vector.broadcast %mul3A_616 : f32 to vector<16xf32>
      %mul3A_618 = arith.mulf %mul3A_617, %add3A_613 : vector<16xf32>
      %max3A_619 = arith.maximumf %add3A_613, %mul3A_618 : vector<16xf32>
      %exp3A_620 = math.exp %max3A_619 : vector<16xf32>
      %mul3A_621 = arith.constant 2.000000e-01 : f32
      %mul3A_622 = vector.broadcast %mul3A_621 : f32 to vector<16xf32>
      %mul3A_623 = arith.mulf %mul3A_622, %add3A_615 : vector<16xf32>
      %max3A_624 = arith.maximumf %add3A_615, %mul3A_623 : vector<16xf32>
      %exp3A_625 = math.exp %max3A_624 : vector<16xf32>
      %swap3A_626 = arith.constant 0 : i32
      %swap3A_627 = arith.index_cast %swap3A_626 : i32 to index
      %swap3A_628 = arith.constant 0 : index
      %swap3A_629 = tpu.vector_load %arg20[%swap3A_627, %swap3A_628] {strides = array<i32>} : memref<2x80xf32, #tpu.memory_space<vmem>>, vector<16xf32>,
      tpu.vector_store %arg20[%swap3A_627, %swap3A_628], %exp3A_620 {strides = array<i32>} : memref<2x80xf32, #tpu.memory_space<vmem>>, vector<16xf32>,
      %swap3A_630 = arith.constant 1 : i32
      %swap3A_631 = arith.index_cast %swap3A_630 : i32 to index
      %swap3A_632 = arith.constant 0 : index
      %swap3A_633 = tpu.vector_load %arg20[%swap3A_631, %swap3A_632] {strides = array<i32>} : memref<2x80xf32, #tpu.memory_space<vmem>>, vector<16xf32>,
      tpu.vector_store %arg20[%swap3A_631, %swap3A_632], %exp3A_625 {strides = array<i32>} : memref<2x80xf32, #tpu.memory_space<vmem>>, vector<16xf32>,
      tpu.vector_store_idx %arg18[%add3A_589, %broadcast_in_dim3A_5], %exp3A_620 : memref<80x128xf32, #tpu.memory_space<vmem>>[vector<16xi32>, vector<16xi32>], vector<16xf32>,
      tpu.vector_store_idx %arg18[%add3A_589, %broadcast_in_dim3A_7], %exp3A_625 : memref<80x128xf32, #tpu.memory_space<vmem>>[vector<16xi32>, vector<16xi32>], vector<16xf32>,
      %add3A_634 = arith.constant 16 : i32
      %add3A_635 = vector.broadcast %add3A_634 : i32 to vector<16xi32>
      %add3A_636 = arith.addi %add3A_635, %iota3A : vector<16xi32>
      %get3A_637 = arith.constant 16 : index
      %get3A_638 = tpu.vector_load %arg17[%get3A_637] {strides = array<i32>} : memref<80xi32, #tpu.memory_space<vmem>>, vector<16xi32>,
      %mul3A_639 = arith.constant 2 : i32
      %mul3A_640 = vector.broadcast %mul3A_639 : i32 to vector<16xi32>
      %mul3A_641 = arith.muli %get3A_638, %mul3A_640 : vector<16xi32>
      %get3A_642 = arith.constant 16 : index
      %get3A_643 = tpu.vector_load %arg16[%get3A_642] {strides = array<i32>} : memref<80xi32, #tpu.memory_space<vmem>>, vector<16xi32>,
      %mul3A_644 = arith.constant 2 : i32
      %mul3A_645 = vector.broadcast %mul3A_644 : i32 to vector<16xi32>
      %mul3A_646 = arith.muli %get3A_643, %mul3A_645 : vector<16xi32>
      %gather3A_647 = tpu.vector_load_idx %arg18[%add3A_636, %broadcast_in_dim3A_5] : memref<80x128xf32, #tpu.memory_space<vmem>>[vector<16xi32>, vector<16xi32>], vector<16xf32>,
      %gather3A_648 = tpu.vector_load_idx %arg18[%add3A_636, %broadcast_in_dim3A_7] : memref<80x128xf32, #tpu.memory_space<vmem>>[vector<16xi32>, vector<16xi32>], vector<16xf32>,
      %gather3A_649 = tpu.vector_load_idx %arg19[%mul3A_646] : memref<20000xf32, #tpu.memory_space<vmem>>[vector<16xi32>], vector<16xf32>,
      %add3A_650 = arith.constant 1 : i32
      %add3A_651 = vector.broadcast %add3A_650 : i32 to vector<16xi32>
      %add3A_652 = arith.addi %mul3A_646, %add3A_651 : vector<16xi32>
      %gather3A_653 = tpu.vector_load_idx %arg19[%add3A_652] : memref<20000xf32, #tpu.memory_space<vmem>>[vector<16xi32>], vector<16xf32>,
      %gather3A_654 = tpu.vector_load_idx %arg22[%mul3A_641] : memref<32xf32, #tpu.memory_space<vmem>>[vector<16xi32>], vector<16xf32>,
      %add3A_655 = arith.constant 1 : i32
      %add3A_656 = vector.broadcast %add3A_655 : i32 to vector<16xi32>
      %add3A_657 = arith.addi %mul3A_641, %add3A_656 : vector<16xi32>
      %gather3A_658 = tpu.vector_load_idx %arg22[%add3A_657] : memref<32xf32, #tpu.memory_space<vmem>>[vector<16xi32>], vector<16xf32>,
      %add3A_659 = arith.addf %gather3A_647, %gather3A_649 : vector<16xf32>
      %add3A_660 = arith.addf %add3A_659, %gather3A_654 : vector<16xf32>
      %add3A_661 = arith.addf %gather3A_648, %gather3A_653 : vector<16xf32>
      %add3A_662 = arith.addf %add3A_661, %gather3A_658 : vector<16xf32>
      %mul3A_663 = arith.constant 2.000000e-01 : f32
      %mul3A_664 = vector.broadcast %mul3A_663 : f32 to vector<16xf32>
      %mul3A_665 = arith.mulf %mul3A_664, %add3A_660 : vector<16xf32>
      %max3A_666 = arith.maximumf %add3A_660, %mul3A_665 : vector<16xf32>
      %exp3A_667 = math.exp %max3A_666 : vector<16xf32>
      %mul3A_668 = arith.constant 2.000000e-01 : f32
      %mul3A_669 = vector.broadcast %mul3A_668 : f32 to vector<16xf32>
      %mul3A_670 = arith.mulf %mul3A_669, %add3A_662 : vector<16xf32>
      %max3A_671 = arith.maximumf %add3A_662, %mul3A_670 : vector<16xf32>
      %exp3A_672 = math.exp %max3A_671 : vector<16xf32>
      %swap3A_673 = arith.constant 0 : i32
      %swap3A_674 = arith.index_cast %swap3A_673 : i32 to index
      %swap3A_675 = arith.constant 16 : index
      %swap3A_676 = tpu.vector_load %arg20[%swap3A_674, %swap3A_675] {strides = array<i32>} : memref<2x80xf32, #tpu.memory_space<vmem>>, vector<16xf32>,
      tpu.vector_store %arg20[%swap3A_674, %swap3A_675], %exp3A_667 {strides = array<i32>} : memref<2x80xf32, #tpu.memory_space<vmem>>, vector<16xf32>,
      %swap3A_677 = arith.constant 1 : i32
      %swap3A_678 = arith.index_cast %swap3A_677 : i32 to index
      %swap3A_679 = arith.constant 16 : index
      %swap3A_680 = tpu.vector_load %arg20[%swap3A_678, %swap3A_679] {strides = array<i32>} : memref<2x80xf32, #tpu.memory_space<vmem>>, vector<16xf32>,
      tpu.vector_store %arg20[%swap3A_678, %swap3A_679], %exp3A_672 {strides = array<i32>} : memref<2x80xf32, #tpu.memory_space<vmem>>, vector<16xf32>,
      tpu.vector_store_idx %arg18[%add3A_636, %broadcast_in_dim3A_5], %exp3A_667 : memref<80x128xf32, #tpu.memory_space<vmem>>[vector<16xi32>, vector<16xi32>], vector<16xf32>,
      tpu.vector_store_idx %arg18[%add3A_636, %broadcast_in_dim3A_7], %exp3A_672 : memref<80x128xf32, #tpu.memory_space<vmem>>[vector<16xi32>, vector<16xi32>], vector<16xf32>,
      %add3A_681 = arith.constant 32 : i32
      %add3A_682 = vector.broadcast %add3A_681 : i32 to vector<16xi32>
      %add3A_683 = arith.addi %add3A_682, %iota3A : vector<16xi32>
      %get3A_684 = arith.constant 32 : index
      %get3A_685 = tpu.vector_load %arg17[%get3A_684] {strides = array<i32>} : memref<80xi32, #tpu.memory_space<vmem>>, vector<16xi32>,
      %mul3A_686 = arith.constant 2 : i32
      %mul3A_687 = vector.broadcast %mul3A_686 : i32 to vector<16xi32>
      %mul3A_688 = arith.muli %get3A_685, %mul3A_687 : vector<16xi32>
      %get3A_689 = arith.constant 32 : index
      %get3A_690 = tpu.vector_load %arg16[%get3A_689] {strides = array<i32>} : memref<80xi32, #tpu.memory_space<vmem>>, vector<16xi32>,
      %mul3A_691 = arith.constant 2 : i32
      %mul3A_692 = vector.broadcast %mul3A_691 : i32 to vector<16xi32>
      %mul3A_693 = arith.muli %get3A_690, %mul3A_692 : vector<16xi32>
      %gather3A_694 = tpu.vector_load_idx %arg18[%add3A_683, %broadcast_in_dim3A_5] : memref<80x128xf32, #tpu.memory_space<vmem>>[vector<16xi32>, vector<16xi32>], vector<16xf32>,
      %gather3A_695 = tpu.vector_load_idx %arg18[%add3A_683, %broadcast_in_dim3A_7] : memref<80x128xf32, #tpu.memory_space<vmem>>[vector<16xi32>, vector<16xi32>], vector<16xf32>,
      %gather3A_696 = tpu.vector_load_idx %arg19[%mul3A_693] : memref<20000xf32, #tpu.memory_space<vmem>>[vector<16xi32>], vector<16xf32>,
      %add3A_697 = arith.constant 1 : i32
      %add3A_698 = vector.broadcast %add3A_697 : i32 to vector<16xi32>
      %add3A_699 = arith.addi %mul3A_693, %add3A_698 : vector<16xi32>
      %gather3A_700 = tpu.vector_load_idx %arg19[%add3A_699] : memref<20000xf32, #tpu.memory_space<vmem>>[vector<16xi32>], vector<16xf32>,
      %gather3A_701 = tpu.vector_load_idx %arg22[%mul3A_688] : memref<32xf32, #tpu.memory_space<vmem>>[vector<16xi32>], vector<16xf32>,
      %add3A_702 = arith.constant 1 : i32
      %add3A_703 = vector.broadcast %add3A_702 : i32 to vector<16xi32>
      %add3A_704 = arith.addi %mul3A_688, %add3A_703 : vector<16xi32>
      %gather3A_705 = tpu.vector_load_idx %arg22[%add3A_704] : memref<32xf32, #tpu.memory_space<vmem>>[vector<16xi32>], vector<16xf32>,
      %add3A_706 = arith.addf %gather3A_694, %gather3A_696 : vector<16xf32>
      %add3A_707 = arith.addf %add3A_706, %gather3A_701 : vector<16xf32>
      %add3A_708 = arith.addf %gather3A_695, %gather3A_700 : vector<16xf32>
      %add3A_709 = arith.addf %add3A_708, %gather3A_705 : vector<16xf32>
      %mul3A_710 = arith.constant 2.000000e-01 : f32
      %mul3A_711 = vector.broadcast %mul3A_710 : f32 to vector<16xf32>
      %mul3A_712 = arith.mulf %mul3A_711, %add3A_707 : vector<16xf32>
      %max3A_713 = arith.maximumf %add3A_707, %mul3A_712 : vector<16xf32>
      %exp3A_714 = math.exp %max3A_713 : vector<16xf32>
      %mul3A_715 = arith.constant 2.000000e-01 : f32
      %mul3A_716 = vector.broadcast %mul3A_715 : f32 to vector<16xf32>
      %mul3A_717 = arith.mulf %mul3A_716, %add3A_709 : vector<16xf32>
      %max3A_718 = arith.maximumf %add3A_709, %mul3A_717 : vector<16xf32>
      %exp3A_719 = math.exp %max3A_718 : vector<16xf32>
      %swap3A_720 = arith.constant 0 : i32
      %swap3A_721 = arith.index_cast %swap3A_720 : i32 to index
      %swap3A_722 = arith.constant 32 : index
      %swap3A_723 = tpu.vector_load %arg20[%swap3A_721, %swap3A_722] {strides = array<i32>} : memref<2x80xf32, #tpu.memory_space<vmem>>, vector<16xf32>,
      tpu.vector_store %arg20[%swap3A_721, %swap3A_722], %exp3A_714 {strides = array<i32>} : memref<2x80xf32, #tpu.memory_space<vmem>>, vector<16xf32>,
      %swap3A_724 = arith.constant 1 : i32
      %swap3A_725 = arith.index_cast %swap3A_724 : i32 to index
      %swap3A_726 = arith.constant 32 : index
      %swap3A_727 = tpu.vector_load %arg20[%swap3A_725, %swap3A_726] {strides = array<i32>} : memref<2x80xf32, #tpu.memory_space<vmem>>, vector<16xf32>,
      tpu.vector_store %arg20[%swap3A_725, %swap3A_726], %exp3A_719 {strides = array<i32>} : memref<2x80xf32, #tpu.memory_space<vmem>>, vector<16xf32>,
      tpu.vector_store_idx %arg18[%add3A_683, %broadcast_in_dim3A_5], %exp3A_714 : memref<80x128xf32, #tpu.memory_space<vmem>>[vector<16xi32>, vector<16xi32>], vector<16xf32>,
      tpu.vector_store_idx %arg18[%add3A_683, %broadcast_in_dim3A_7], %exp3A_719 : memref<80x128xf32, #tpu.memory_space<vmem>>[vector<16xi32>, vector<16xi32>], vector<16xf32>,
      %add3A_728 = arith.constant 48 : i32
      %add3A_729 = vector.broadcast %add3A_728 : i32 to vector<16xi32>
      %add3A_730 = arith.addi %add3A_729, %iota3A : vector<16xi32>
      %get3A_731 = arith.constant 48 : index
      %get3A_732 = tpu.vector_load %arg17[%get3A_731] {strides = array<i32>} : memref<80xi32, #tpu.memory_space<vmem>>, vector<16xi32>,
      %mul3A_733 = arith.constant 2 : i32
      %mul3A_734 = vector.broadcast %mul3A_733 : i32 to vector<16xi32>
      %mul3A_735 = arith.muli %get3A_732, %mul3A_734 : vector<16xi32>
      %get3A_736 = arith.constant 48 : index
      %get3A_737 = tpu.vector_load %arg16[%get3A_736] {strides = array<i32>} : memref<80xi32, #tpu.memory_space<vmem>>, vector<16xi32>,
      %mul3A_738 = arith.constant 2 : i32
      %mul3A_739 = vector.broadcast %mul3A_738 : i32 to vector<16xi32>
      %mul3A_740 = arith.muli %get3A_737, %mul3A_739 : vector<16xi32>
      %gather3A_741 = tpu.vector_load_idx %arg18[%add3A_730, %broadcast_in_dim3A_5] : memref<80x128xf32, #tpu.memory_space<vmem>>[vector<16xi32>, vector<16xi32>], vector<16xf32>,
      %gather3A_742 = tpu.vector_load_idx %arg18[%add3A_730, %broadcast_in_dim3A_7] : memref<80x128xf32, #tpu.memory_space<vmem>>[vector<16xi32>, vector<16xi32>], vector<16xf32>,
      %gather3A_743 = tpu.vector_load_idx %arg19[%mul3A_740] : memref<20000xf32, #tpu.memory_space<vmem>>[vector<16xi32>], vector<16xf32>,
      %add3A_744 = arith.constant 1 : i32
      %add3A_745 = vector.broadcast %add3A_744 : i32 to vector<16xi32>
      %add3A_746 = arith.addi %mul3A_740, %add3A_745 : vector<16xi32>
      %gather3A_747 = tpu.vector_load_idx %arg19[%add3A_746] : memref<20000xf32, #tpu.memory_space<vmem>>[vector<16xi32>], vector<16xf32>,
      %gather3A_748 = tpu.vector_load_idx %arg22[%mul3A_735] : memref<32xf32, #tpu.memory_space<vmem>>[vector<16xi32>], vector<16xf32>,
      %add3A_749 = arith.constant 1 : i32
      %add3A_750 = vector.broadcast %add3A_749 : i32 to vector<16xi32>
      %add3A_751 = arith.addi %mul3A_735, %add3A_750 : vector<16xi32>
      %gather3A_752 = tpu.vector_load_idx %arg22[%add3A_751] : memref<32xf32, #tpu.memory_space<vmem>>[vector<16xi32>], vector<16xf32>,
      %add3A_753 = arith.addf %gather3A_741, %gather3A_743 : vector<16xf32>
      %add3A_754 = arith.addf %add3A_753, %gather3A_748 : vector<16xf32>
      %add3A_755 = arith.addf %gather3A_742, %gather3A_747 : vector<16xf32>
      %add3A_756 = arith.addf %add3A_755, %gather3A_752 : vector<16xf32>
      %mul3A_757 = arith.constant 2.000000e-01 : f32
      %mul3A_758 = vector.broadcast %mul3A_757 : f32 to vector<16xf32>
      %mul3A_759 = arith.mulf %mul3A_758, %add3A_754 : vector<16xf32>
      %max3A_760 = arith.maximumf %add3A_754, %mul3A_759 : vector<16xf32>
      %exp3A_761 = math.exp %max3A_760 : vector<16xf32>
      %mul3A_762 = arith.constant 2.000000e-01 : f32
      %mul3A_763 = vector.broadcast %mul3A_762 : f32 to vector<16xf32>
      %mul3A_764 = arith.mulf %mul3A_763, %add3A_756 : vector<16xf32>
      %max3A_765 = arith.maximumf %add3A_756, %mul3A_764 : vector<16xf32>
      %exp3A_766 = math.exp %max3A_765 : vector<16xf32>
      %swap3A_767 = arith.constant 0 : i32
      %swap3A_768 = arith.index_cast %swap3A_767 : i32 to index
      %swap3A_769 = arith.constant 48 : index
      %swap3A_770 = tpu.vector_load %arg20[%swap3A_768, %swap3A_769] {strides = array<i32>} : memref<2x80xf32, #tpu.memory_space<vmem>>, vector<16xf32>,
      tpu.vector_store %arg20[%swap3A_768, %swap3A_769], %exp3A_761 {strides = array<i32>} : memref<2x80xf32, #tpu.memory_space<vmem>>, vector<16xf32>,
      %swap3A_771 = arith.constant 1 : i32
      %swap3A_772 = arith.index_cast %swap3A_771 : i32 to index
      %swap3A_773 = arith.constant 48 : index
      %swap3A_774 = tpu.vector_load %arg20[%swap3A_772, %swap3A_773] {strides = array<i32>} : memref<2x80xf32, #tpu.memory_space<vmem>>, vector<16xf32>,
      tpu.vector_store %arg20[%swap3A_772, %swap3A_773], %exp3A_766 {strides = array<i32>} : memref<2x80xf32, #tpu.memory_space<vmem>>, vector<16xf32>,
      tpu.vector_store_idx %arg18[%add3A_730, %broadcast_in_dim3A_5], %exp3A_761 : memref<80x128xf32, #tpu.memory_space<vmem>>[vector<16xi32>, vector<16xi32>], vector<16xf32>,
      tpu.vector_store_idx %arg18[%add3A_730, %broadcast_in_dim3A_7], %exp3A_766 : memref<80x128xf32, #tpu.memory_space<vmem>>[vector<16xi32>, vector<16xi32>], vector<16xf32>,
      %add3A_775 = arith.constant 64 : i32
      %add3A_776 = vector.broadcast %add3A_775 : i32 to vector<16xi32>
      %add3A_777 = arith.addi %add3A_776, %iota3A : vector<16xi32>
      %get3A_778 = arith.constant 64 : index
      %get3A_779 = tpu.vector_load %arg17[%get3A_778] {strides = array<i32>} : memref<80xi32, #tpu.memory_space<vmem>>, vector<16xi32>,
      %mul3A_780 = arith.constant 2 : i32
      %mul3A_781 = vector.broadcast %mul3A_780 : i32 to vector<16xi32>
      %mul3A_782 = arith.muli %get3A_779, %mul3A_781 : vector<16xi32>
      %get3A_783 = arith.constant 64 : index
      %get3A_784 = tpu.vector_load %arg16[%get3A_783] {strides = array<i32>} : memref<80xi32, #tpu.memory_space<vmem>>, vector<16xi32>,
      %mul3A_785 = arith.constant 2 : i32
      %mul3A_786 = vector.broadcast %mul3A_785 : i32 to vector<16xi32>
      %mul3A_787 = arith.muli %get3A_784, %mul3A_786 : vector<16xi32>
      %gather3A_788 = tpu.vector_load_idx %arg18[%add3A_777, %broadcast_in_dim3A_5] : memref<80x128xf32, #tpu.memory_space<vmem>>[vector<16xi32>, vector<16xi32>], vector<16xf32>,
      %gather3A_789 = tpu.vector_load_idx %arg18[%add3A_777, %broadcast_in_dim3A_7] : memref<80x128xf32, #tpu.memory_space<vmem>>[vector<16xi32>, vector<16xi32>], vector<16xf32>,
      %gather3A_790 = tpu.vector_load_idx %arg19[%mul3A_787] : memref<20000xf32, #tpu.memory_space<vmem>>[vector<16xi32>], vector<16xf32>,
      %add3A_791 = arith.constant 1 : i32
      %add3A_792 = vector.broadcast %add3A_791 : i32 to vector<16xi32>
      %add3A_793 = arith.addi %mul3A_787, %add3A_792 : vector<16xi32>
      %gather3A_794 = tpu.vector_load_idx %arg19[%add3A_793] : memref<20000xf32, #tpu.memory_space<vmem>>[vector<16xi32>], vector<16xf32>,
      %gather3A_795 = tpu.vector_load_idx %arg22[%mul3A_782] : memref<32xf32, #tpu.memory_space<vmem>>[vector<16xi32>], vector<16xf32>,
      %add3A_796 = arith.constant 1 : i32
      %add3A_797 = vector.broadcast %add3A_796 : i32 to vector<16xi32>
      %add3A_798 = arith.addi %mul3A_782, %add3A_797 : vector<16xi32>
      %gather3A_799 = tpu.vector_load_idx %arg22[%add3A_798] : memref<32xf32, #tpu.memory_space<vmem>>[vector<16xi32>], vector<16xf32>,
      %add3A_800 = arith.addf %gather3A_788, %gather3A_790 : vector<16xf32>
      %add3A_801 = arith.addf %add3A_800, %gather3A_795 : vector<16xf32>
      %add3A_802 = arith.addf %gather3A_789, %gather3A_794 : vector<16xf32>
      %add3A_803 = arith.addf %add3A_802, %gather3A_799 : vector<16xf32>
      %mul3A_804 = arith.constant 2.000000e-01 : f32
      %mul3A_805 = vector.broadcast %mul3A_804 : f32 to vector<16xf32>
      %mul3A_806 = arith.mulf %mul3A_805, %add3A_801 : vector<16xf32>
      %max3A_807 = arith.maximumf %add3A_801, %mul3A_806 : vector<16xf32>
      %exp3A_808 = math.exp %max3A_807 : vector<16xf32>
      %mul3A_809 = arith.constant 2.000000e-01 : f32
      %mul3A_810 = vector.broadcast %mul3A_809 : f32 to vector<16xf32>
      %mul3A_811 = arith.mulf %mul3A_810, %add3A_803 : vector<16xf32>
      %max3A_812 = arith.maximumf %add3A_803, %mul3A_811 : vector<16xf32>
      %exp3A_813 = math.exp %max3A_812 : vector<16xf32>
      %swap3A_814 = arith.constant 0 : i32
      %swap3A_815 = arith.index_cast %swap3A_814 : i32 to index
      %swap3A_816 = arith.constant 64 : index
      %swap3A_817 = tpu.vector_load %arg20[%swap3A_815, %swap3A_816] {strides = array<i32>} : memref<2x80xf32, #tpu.memory_space<vmem>>, vector<16xf32>,
      tpu.vector_store %arg20[%swap3A_815, %swap3A_816], %exp3A_808 {strides = array<i32>} : memref<2x80xf32, #tpu.memory_space<vmem>>, vector<16xf32>,
      %swap3A_818 = arith.constant 1 : i32
      %swap3A_819 = arith.index_cast %swap3A_818 : i32 to index
      %swap3A_820 = arith.constant 64 : index
      %swap3A_821 = tpu.vector_load %arg20[%swap3A_819, %swap3A_820] {strides = array<i32>} : memref<2x80xf32, #tpu.memory_space<vmem>>, vector<16xf32>,
      tpu.vector_store %arg20[%swap3A_819, %swap3A_820], %exp3A_813 {strides = array<i32>} : memref<2x80xf32, #tpu.memory_space<vmem>>, vector<16xf32>,
      tpu.vector_store_idx %arg18[%add3A_777, %broadcast_in_dim3A_5], %exp3A_808 : memref<80x128xf32, #tpu.memory_space<vmem>>[vector<16xi32>, vector<16xi32>], vector<16xf32>,
      tpu.vector_store_idx %arg18[%add3A_777, %broadcast_in_dim3A_7], %exp3A_813 : memref<80x128xf32, #tpu.memory_space<vmem>>[vector<16xi32>, vector<16xi32>], vector<16xf32>,
      "tpu.region"() ({
        %run_scoped3A = tpu.sem_alloc : memref<!tpu.dma_semaphore, #tpu.memory_space<semaphore_mem>>
        %dma_start3A_838 = arith.constant 0 : i32
        %dma_start3A_839 = arith.constant 0 : i32
        %dma_start3A_840 = tpu.memref_slice %arg25[%dma_start3A_838, %dma_start3A_839] : memref<10112x128xf32, #tpu.memory_space<vmem_shared>> -> memref<10112x128xf32, #tpu.memory_space<vmem_shared>>
        tpu.enqueue_indirect_dma source(%arg18 : memref<80x128xf32, #tpu.memory_space<vmem>>) target(%dma_start3A_840 : memref<10112x128xf32, #tpu.memory_space<vmem_shared>>) offsets(%arg16 : memref<80xi32, #tpu.memory_space<vmem>>) semaphore(%run_scoped3A : memref<!tpu.dma_semaphore, #tpu.memory_space<semaphore_mem>>) {add = true}
        %dma_wait3A_841 = arith.constant 0 : i32
        %dma_wait3A_842 = arith.constant 0 : i32
        %dma_wait3A_843 = tpu.memref_slice %arg25[%dma_wait3A_841, %dma_wait3A_842] : memref<10112x128xf32, #tpu.memory_space<vmem_shared>> -> memref<10112x128xf32, #tpu.memory_space<vmem_shared>>
        tpu.wait_indirect_dma semaphore(%run_scoped3A : memref<!tpu.dma_semaphore, #tpu.memory_space<semaphore_mem>>) src(%arg18 : memref<80x128xf32, #tpu.memory_space<vmem>>) dst(%dma_wait3A_843 : memref<10112x128xf32, #tpu.memory_space<vmem_shared>>)
        tpu.yield
      }) : () -> ()
      %add3A_822 = arith.constant 2 : i32
      %add3A_823 = arith.addi %add3A_571, %add3A_822 : i32
      %min3A_824 = arith.constant 124 : i32
      %min3A_825 = arith.minsi %add3A_823, %min3A_824 : i32
      %mul3A_826 = arith.constant 80 : i32
      %mul3A_827 = arith.muli %min3A_825, %mul3A_826 : i32
      %add3A_828 = arith.addi %mul3A_4, %mul3A_827 : i32
      %dma_start3A_829 = tpu.memref_slice %arg6[%add3A_828] : memref<320000xi32, #tpu.memory_space<hbm>> -> memref<80xi32, #tpu.memory_space<hbm>>
      %dma_start3A_830 = tpu.memref_slice %arg6[%add3A_828] : memref<320000xi32, #tpu.memory_space<hbm>> -> memref<80xi32, #tpu.memory_space<hbm>>
      tpu.enqueue_dma source(%dma_start3A_830 : memref<80xi32, #tpu.memory_space<hbm>>) target(%arg15 : memref<80xi32, #tpu.memory_space<vmem>>) target_semaphore(%arg23 : memref<!tpu.dma_semaphore, #tpu.memory_space<semaphore_mem>>)
      %dma_start3A_831 = tpu.memref_slice %arg7[%add3A_828] : memref<320000xi32, #tpu.memory_space<hbm>> -> memref<80xi32, #tpu.memory_space<hbm>>
      %dma_start3A_832 = tpu.memref_slice %arg7[%add3A_828] : memref<320000xi32, #tpu.memory_space<hbm>> -> memref<80xi32, #tpu.memory_space<hbm>>
      tpu.enqueue_dma source(%dma_start3A_832 : memref<80xi32, #tpu.memory_space<hbm>>) target(%arg16 : memref<80xi32, #tpu.memory_space<vmem>>) target_semaphore(%arg23 : memref<!tpu.dma_semaphore, #tpu.memory_space<semaphore_mem>>)
      %dma_start3A_833 = tpu.memref_slice %arg8[%add3A_828] : memref<320000xi32, #tpu.memory_space<hbm>> -> memref<80xi32, #tpu.memory_space<hbm>>
      %dma_start3A_834 = tpu.memref_slice %arg8[%add3A_828] : memref<320000xi32, #tpu.memory_space<hbm>> -> memref<80xi32, #tpu.memory_space<hbm>>
      tpu.enqueue_dma source(%dma_start3A_834 : memref<80xi32, #tpu.memory_space<hbm>>) target(%arg17 : memref<80xi32, #tpu.memory_space<vmem>>) target_semaphore(%arg23 : memref<!tpu.dma_semaphore, #tpu.memory_space<semaphore_mem>>)
      %dma_wait3A_835 = arith.constant 0 : i32
      %dma_wait3A_836 = arith.constant 0 : i32
      %dma_wait3A_837 = tpu.memref_slice %arg2[%dma_wait3A_835, %dma_wait3A_836] : memref<10000x128xf32, #tpu.memory_space<hbm>> -> memref<10000x128xf32, #tpu.memory_space<hbm>>
      tpu.wait_indirect_dma semaphore(%arg24 : memref<!tpu.dma_semaphore, #tpu.memory_space<semaphore_mem>>) src(%dma_wait3A_837 : memref<10000x128xf32, #tpu.memory_space<hbm>>) dst(%arg14 : memref<80x128xf32, #tpu.memory_space<vmem>>)
    }
    %scan3A_51 = arith.constant 62 : i32
    %dma_wait3A_52 = arith.constant 0 : i32
    %dma_wait3A_53 = tpu.memref_slice %arg6[%dma_wait3A_52] : memref<320000xi32, #tpu.memory_space<hbm>> -> memref<80xi32, #tpu.memory_space<hbm>>
    %dma_wait3A_54 = arith.constant 0 : i32
    %dma_wait3A_55 = tpu.memref_slice %arg6[%dma_wait3A_54] : memref<320000xi32, #tpu.memory_space<hbm>> -> memref<80xi32, #tpu.memory_space<hbm>>
    tpu.wait_dma2 semaphore(%arg23 : memref<!tpu.dma_semaphore, #tpu.memory_space<semaphore_mem>>) src(%dma_wait3A_55 : memref<80xi32, #tpu.memory_space<hbm>>) dst(%arg15 : memref<80xi32, #tpu.memory_space<vmem>>)
    %dma_wait3A_56 = arith.constant 0 : i32
    %dma_wait3A_57 = tpu.memref_slice %arg7[%dma_wait3A_56] : memref<320000xi32, #tpu.memory_space<hbm>> -> memref<80xi32, #tpu.memory_space<hbm>>
    %dma_wait3A_58 = arith.constant 0 : i32
    %dma_wait3A_59 = tpu.memref_slice %arg7[%dma_wait3A_58] : memref<320000xi32, #tpu.memory_space<hbm>> -> memref<80xi32, #tpu.memory_space<hbm>>
    tpu.wait_dma2 semaphore(%arg23 : memref<!tpu.dma_semaphore, #tpu.memory_space<semaphore_mem>>) src(%dma_wait3A_59 : memref<80xi32, #tpu.memory_space<hbm>>) dst(%arg16 : memref<80xi32, #tpu.memory_space<vmem>>)
    %dma_wait3A_60 = arith.constant 0 : i32
    %dma_wait3A_61 = tpu.memref_slice %arg8[%dma_wait3A_60] : memref<320000xi32, #tpu.memory_space<hbm>> -> memref<80xi32, #tpu.memory_space<hbm>>
    %dma_wait3A_62 = arith.constant 0 : i32
    %dma_wait3A_63 = tpu.memref_slice %arg8[%dma_wait3A_62] : memref<320000xi32, #tpu.memory_space<hbm>> -> memref<80xi32, #tpu.memory_space<hbm>>
    tpu.wait_dma2 semaphore(%arg23 : memref<!tpu.dma_semaphore, #tpu.memory_space<semaphore_mem>>) src(%dma_wait3A_63 : memref<80xi32, #tpu.memory_space<hbm>>) dst(%arg17 : memref<80xi32, #tpu.memory_space<vmem>>)
    %add3A_64 = arith.constant 0 : i32
    %add3A_65 = vector.broadcast %add3A_64 : i32 to vector<16xi32>
    %add3A_66 = arith.addi %add3A_65, %iota3A : vector<16xi32>
    %get3A = arith.constant 0 : index
    %get3A_67 = tpu.vector_load %arg13[%get3A] {strides = array<i32>} : memref<80xi32, #tpu.memory_space<vmem>>, vector<16xi32>,
    %mul3A_68 = arith.constant 2 : i32
    %mul3A_69 = vector.broadcast %mul3A_68 : i32 to vector<16xi32>
    %mul3A_70 = arith.muli %get3A_67, %mul3A_69 : vector<16xi32>
    %get3A_71 = arith.constant 0 : index
    %get3A_72 = tpu.vector_load %arg12[%get3A_71] {strides = array<i32>} : memref<80xi32, #tpu.memory_space<vmem>>, vector<16xi32>,
    %mul3A_73 = arith.constant 2 : i32
    %mul3A_74 = vector.broadcast %mul3A_73 : i32 to vector<16xi32>
    %mul3A_75 = arith.muli %get3A_72, %mul3A_74 : vector<16xi32>
    %gather3A = tpu.vector_load_idx %arg14[%add3A_66, %broadcast_in_dim3A_5] : memref<80x128xf32, #tpu.memory_space<vmem>>[vector<16xi32>, vector<16xi32>], vector<16xf32>,
    %gather3A_76 = tpu.vector_load_idx %arg14[%add3A_66, %broadcast_in_dim3A_7] : memref<80x128xf32, #tpu.memory_space<vmem>>[vector<16xi32>, vector<16xi32>], vector<16xf32>,
    %gather3A_77 = tpu.vector_load_idx %arg19[%mul3A_75] : memref<20000xf32, #tpu.memory_space<vmem>>[vector<16xi32>], vector<16xf32>,
    %add3A_78 = arith.constant 1 : i32
    %add3A_79 = vector.broadcast %add3A_78 : i32 to vector<16xi32>
    %add3A_80 = arith.addi %mul3A_75, %add3A_79 : vector<16xi32>
    %gather3A_81 = tpu.vector_load_idx %arg19[%add3A_80] : memref<20000xf32, #tpu.memory_space<vmem>>[vector<16xi32>], vector<16xf32>,
    %gather3A_82 = tpu.vector_load_idx %arg22[%mul3A_70] : memref<32xf32, #tpu.memory_space<vmem>>[vector<16xi32>], vector<16xf32>,
    %add3A_83 = arith.constant 1 : i32
    %add3A_84 = vector.broadcast %add3A_83 : i32 to vector<16xi32>
    %add3A_85 = arith.addi %mul3A_70, %add3A_84 : vector<16xi32>
    %gather3A_86 = tpu.vector_load_idx %arg22[%add3A_85] : memref<32xf32, #tpu.memory_space<vmem>>[vector<16xi32>], vector<16xf32>,
    %add3A_87 = arith.addf %gather3A, %gather3A_77 : vector<16xf32>
    %add3A_88 = arith.addf %add3A_87, %gather3A_82 : vector<16xf32>
    %add3A_89 = arith.addf %gather3A_76, %gather3A_81 : vector<16xf32>
    %add3A_90 = arith.addf %add3A_89, %gather3A_86 : vector<16xf32>
    %mul3A_91 = arith.constant 2.000000e-01 : f32
    %mul3A_92 = vector.broadcast %mul3A_91 : f32 to vector<16xf32>
    %mul3A_93 = arith.mulf %mul3A_92, %add3A_88 : vector<16xf32>
    %max3A = arith.maximumf %add3A_88, %mul3A_93 : vector<16xf32>
    %exp3A = math.exp %max3A : vector<16xf32>
    %mul3A_94 = arith.constant 2.000000e-01 : f32
    %mul3A_95 = vector.broadcast %mul3A_94 : f32 to vector<16xf32>
    %mul3A_96 = arith.mulf %mul3A_95, %add3A_90 : vector<16xf32>
    %max3A_97 = arith.maximumf %add3A_90, %mul3A_96 : vector<16xf32>
    %exp3A_98 = math.exp %max3A_97 : vector<16xf32>
    %swap3A = arith.constant 0 : i32
    %swap3A_99 = arith.index_cast %swap3A : i32 to index
    %swap3A_100 = arith.constant 0 : index
    %swap3A_101 = tpu.vector_load %arg20[%swap3A_99, %swap3A_100] {strides = array<i32>} : memref<2x80xf32, #tpu.memory_space<vmem>>, vector<16xf32>,
    tpu.vector_store %arg20[%swap3A_99, %swap3A_100], %exp3A {strides = array<i32>} : memref<2x80xf32, #tpu.memory_space<vmem>>, vector<16xf32>,
    %swap3A_102 = arith.constant 1 : i32
    %swap3A_103 = arith.index_cast %swap3A_102 : i32 to index
    %swap3A_104 = arith.constant 0 : index
    %swap3A_105 = tpu.vector_load %arg20[%swap3A_103, %swap3A_104] {strides = array<i32>} : memref<2x80xf32, #tpu.memory_space<vmem>>, vector<16xf32>,
    tpu.vector_store %arg20[%swap3A_103, %swap3A_104], %exp3A_98 {strides = array<i32>} : memref<2x80xf32, #tpu.memory_space<vmem>>, vector<16xf32>,
    tpu.vector_store_idx %arg14[%add3A_66, %broadcast_in_dim3A_5], %exp3A : memref<80x128xf32, #tpu.memory_space<vmem>>[vector<16xi32>, vector<16xi32>], vector<16xf32>,
    tpu.vector_store_idx %arg14[%add3A_66, %broadcast_in_dim3A_7], %exp3A_98 : memref<80x128xf32, #tpu.memory_space<vmem>>[vector<16xi32>, vector<16xi32>], vector<16xf32>,
    %add3A_106 = arith.constant 16 : i32
    %add3A_107 = vector.broadcast %add3A_106 : i32 to vector<16xi32>
    %add3A_108 = arith.addi %add3A_107, %iota3A : vector<16xi32>
    %get3A_109 = arith.constant 16 : index
    %get3A_110 = tpu.vector_load %arg13[%get3A_109] {strides = array<i32>} : memref<80xi32, #tpu.memory_space<vmem>>, vector<16xi32>,
    %mul3A_111 = arith.constant 2 : i32
    %mul3A_112 = vector.broadcast %mul3A_111 : i32 to vector<16xi32>
    %mul3A_113 = arith.muli %get3A_110, %mul3A_112 : vector<16xi32>
    %get3A_114 = arith.constant 16 : index
    %get3A_115 = tpu.vector_load %arg12[%get3A_114] {strides = array<i32>} : memref<80xi32, #tpu.memory_space<vmem>>, vector<16xi32>,
    %mul3A_116 = arith.constant 2 : i32
    %mul3A_117 = vector.broadcast %mul3A_116 : i32 to vector<16xi32>
    %mul3A_118 = arith.muli %get3A_115, %mul3A_117 : vector<16xi32>
    %gather3A_119 = tpu.vector_load_idx %arg14[%add3A_108, %broadcast_in_dim3A_5] : memref<80x128xf32, #tpu.memory_space<vmem>>[vector<16xi32>, vector<16xi32>], vector<16xf32>,
    %gather3A_120 = tpu.vector_load_idx %arg14[%add3A_108, %broadcast_in_dim3A_7] : memref<80x128xf32, #tpu.memory_space<vmem>>[vector<16xi32>, vector<16xi32>], vector<16xf32>,
    %gather3A_121 = tpu.vector_load_idx %arg19[%mul3A_118] : memref<20000xf32, #tpu.memory_space<vmem>>[vector<16xi32>], vector<16xf32>,
    %add3A_122 = arith.constant 1 : i32
    %add3A_123 = vector.broadcast %add3A_122 : i32 to vector<16xi32>
    %add3A_124 = arith.addi %mul3A_118, %add3A_123 : vector<16xi32>
    %gather3A_125 = tpu.vector_load_idx %arg19[%add3A_124] : memref<20000xf32, #tpu.memory_space<vmem>>[vector<16xi32>], vector<16xf32>,
    %gather3A_126 = tpu.vector_load_idx %arg22[%mul3A_113] : memref<32xf32, #tpu.memory_space<vmem>>[vector<16xi32>], vector<16xf32>,
    %add3A_127 = arith.constant 1 : i32
    %add3A_128 = vector.broadcast %add3A_127 : i32 to vector<16xi32>
    %add3A_129 = arith.addi %mul3A_113, %add3A_128 : vector<16xi32>
    %gather3A_130 = tpu.vector_load_idx %arg22[%add3A_129] : memref<32xf32, #tpu.memory_space<vmem>>[vector<16xi32>], vector<16xf32>,
    %add3A_131 = arith.addf %gather3A_119, %gather3A_121 : vector<16xf32>
    %add3A_132 = arith.addf %add3A_131, %gather3A_126 : vector<16xf32>
    %add3A_133 = arith.addf %gather3A_120, %gather3A_125 : vector<16xf32>
    %add3A_134 = arith.addf %add3A_133, %gather3A_130 : vector<16xf32>
    %mul3A_135 = arith.constant 2.000000e-01 : f32
    %mul3A_136 = vector.broadcast %mul3A_135 : f32 to vector<16xf32>
    %mul3A_137 = arith.mulf %mul3A_136, %add3A_132 : vector<16xf32>
    %max3A_138 = arith.maximumf %add3A_132, %mul3A_137 : vector<16xf32>
    %exp3A_139 = math.exp %max3A_138 : vector<16xf32>
    %mul3A_140 = arith.constant 2.000000e-01 : f32
    %mul3A_141 = vector.broadcast %mul3A_140 : f32 to vector<16xf32>
    %mul3A_142 = arith.mulf %mul3A_141, %add3A_134 : vector<16xf32>
    %max3A_143 = arith.maximumf %add3A_134, %mul3A_142 : vector<16xf32>
    %exp3A_144 = math.exp %max3A_143 : vector<16xf32>
    %swap3A_145 = arith.constant 0 : i32
    %swap3A_146 = arith.index_cast %swap3A_145 : i32 to index
    %swap3A_147 = arith.constant 16 : index
    %swap3A_148 = tpu.vector_load %arg20[%swap3A_146, %swap3A_147] {strides = array<i32>} : memref<2x80xf32, #tpu.memory_space<vmem>>, vector<16xf32>,
    tpu.vector_store %arg20[%swap3A_146, %swap3A_147], %exp3A_139 {strides = array<i32>} : memref<2x80xf32, #tpu.memory_space<vmem>>, vector<16xf32>,
    %swap3A_149 = arith.constant 1 : i32
    %swap3A_150 = arith.index_cast %swap3A_149 : i32 to index
    %swap3A_151 = arith.constant 16 : index
    %swap3A_152 = tpu.vector_load %arg20[%swap3A_150, %swap3A_151] {strides = array<i32>} : memref<2x80xf32, #tpu.memory_space<vmem>>, vector<16xf32>,
    tpu.vector_store %arg20[%swap3A_150, %swap3A_151], %exp3A_144 {strides = array<i32>} : memref<2x80xf32, #tpu.memory_space<vmem>>, vector<16xf32>,
    tpu.vector_store_idx %arg14[%add3A_108, %broadcast_in_dim3A_5], %exp3A_139 : memref<80x128xf32, #tpu.memory_space<vmem>>[vector<16xi32>, vector<16xi32>], vector<16xf32>,
    tpu.vector_store_idx %arg14[%add3A_108, %broadcast_in_dim3A_7], %exp3A_144 : memref<80x128xf32, #tpu.memory_space<vmem>>[vector<16xi32>, vector<16xi32>], vector<16xf32>,
    %add3A_153 = arith.constant 32 : i32
    %add3A_154 = vector.broadcast %add3A_153 : i32 to vector<16xi32>
    %add3A_155 = arith.addi %add3A_154, %iota3A : vector<16xi32>
    %get3A_156 = arith.constant 32 : index
    %get3A_157 = tpu.vector_load %arg13[%get3A_156] {strides = array<i32>} : memref<80xi32, #tpu.memory_space<vmem>>, vector<16xi32>,
    %mul3A_158 = arith.constant 2 : i32
    %mul3A_159 = vector.broadcast %mul3A_158 : i32 to vector<16xi32>
    %mul3A_160 = arith.muli %get3A_157, %mul3A_159 : vector<16xi32>
    %get3A_161 = arith.constant 32 : index
    %get3A_162 = tpu.vector_load %arg12[%get3A_161] {strides = array<i32>} : memref<80xi32, #tpu.memory_space<vmem>>, vector<16xi32>,
    %mul3A_163 = arith.constant 2 : i32
    %mul3A_164 = vector.broadcast %mul3A_163 : i32 to vector<16xi32>
    %mul3A_165 = arith.muli %get3A_162, %mul3A_164 : vector<16xi32>
    %gather3A_166 = tpu.vector_load_idx %arg14[%add3A_155, %broadcast_in_dim3A_5] : memref<80x128xf32, #tpu.memory_space<vmem>>[vector<16xi32>, vector<16xi32>], vector<16xf32>,
    %gather3A_167 = tpu.vector_load_idx %arg14[%add3A_155, %broadcast_in_dim3A_7] : memref<80x128xf32, #tpu.memory_space<vmem>>[vector<16xi32>, vector<16xi32>], vector<16xf32>,
    %gather3A_168 = tpu.vector_load_idx %arg19[%mul3A_165] : memref<20000xf32, #tpu.memory_space<vmem>>[vector<16xi32>], vector<16xf32>,
    %add3A_169 = arith.constant 1 : i32
    %add3A_170 = vector.broadcast %add3A_169 : i32 to vector<16xi32>
    %add3A_171 = arith.addi %mul3A_165, %add3A_170 : vector<16xi32>
    %gather3A_172 = tpu.vector_load_idx %arg19[%add3A_171] : memref<20000xf32, #tpu.memory_space<vmem>>[vector<16xi32>], vector<16xf32>,
    %gather3A_173 = tpu.vector_load_idx %arg22[%mul3A_160] : memref<32xf32, #tpu.memory_space<vmem>>[vector<16xi32>], vector<16xf32>,
    %add3A_174 = arith.constant 1 : i32
    %add3A_175 = vector.broadcast %add3A_174 : i32 to vector<16xi32>
    %add3A_176 = arith.addi %mul3A_160, %add3A_175 : vector<16xi32>
    %gather3A_177 = tpu.vector_load_idx %arg22[%add3A_176] : memref<32xf32, #tpu.memory_space<vmem>>[vector<16xi32>], vector<16xf32>,
    %add3A_178 = arith.addf %gather3A_166, %gather3A_168 : vector<16xf32>
    %add3A_179 = arith.addf %add3A_178, %gather3A_173 : vector<16xf32>
    %add3A_180 = arith.addf %gather3A_167, %gather3A_172 : vector<16xf32>
    %add3A_181 = arith.addf %add3A_180, %gather3A_177 : vector<16xf32>
    %mul3A_182 = arith.constant 2.000000e-01 : f32
    %mul3A_183 = vector.broadcast %mul3A_182 : f32 to vector<16xf32>
    %mul3A_184 = arith.mulf %mul3A_183, %add3A_179 : vector<16xf32>
    %max3A_185 = arith.maximumf %add3A_179, %mul3A_184 : vector<16xf32>
    %exp3A_186 = math.exp %max3A_185 : vector<16xf32>
    %mul3A_187 = arith.constant 2.000000e-01 : f32
    %mul3A_188 = vector.broadcast %mul3A_187 : f32 to vector<16xf32>
    %mul3A_189 = arith.mulf %mul3A_188, %add3A_181 : vector<16xf32>
    %max3A_190 = arith.maximumf %add3A_181, %mul3A_189 : vector<16xf32>
    %exp3A_191 = math.exp %max3A_190 : vector<16xf32>
    %swap3A_192 = arith.constant 0 : i32
    %swap3A_193 = arith.index_cast %swap3A_192 : i32 to index
    %swap3A_194 = arith.constant 32 : index
    %swap3A_195 = tpu.vector_load %arg20[%swap3A_193, %swap3A_194] {strides = array<i32>} : memref<2x80xf32, #tpu.memory_space<vmem>>, vector<16xf32>,
    tpu.vector_store %arg20[%swap3A_193, %swap3A_194], %exp3A_186 {strides = array<i32>} : memref<2x80xf32, #tpu.memory_space<vmem>>, vector<16xf32>,
    %swap3A_196 = arith.constant 1 : i32
    %swap3A_197 = arith.index_cast %swap3A_196 : i32 to index
    %swap3A_198 = arith.constant 32 : index
    %swap3A_199 = tpu.vector_load %arg20[%swap3A_197, %swap3A_198] {strides = array<i32>} : memref<2x80xf32, #tpu.memory_space<vmem>>, vector<16xf32>,
    tpu.vector_store %arg20[%swap3A_197, %swap3A_198], %exp3A_191 {strides = array<i32>} : memref<2x80xf32, #tpu.memory_space<vmem>>, vector<16xf32>,
    tpu.vector_store_idx %arg14[%add3A_155, %broadcast_in_dim3A_5], %exp3A_186 : memref<80x128xf32, #tpu.memory_space<vmem>>[vector<16xi32>, vector<16xi32>], vector<16xf32>,
    tpu.vector_store_idx %arg14[%add3A_155, %broadcast_in_dim3A_7], %exp3A_191 : memref<80x128xf32, #tpu.memory_space<vmem>>[vector<16xi32>, vector<16xi32>], vector<16xf32>,
    %add3A_200 = arith.constant 48 : i32
    %add3A_201 = vector.broadcast %add3A_200 : i32 to vector<16xi32>
    %add3A_202 = arith.addi %add3A_201, %iota3A : vector<16xi32>
    %get3A_203 = arith.constant 48 : index
    %get3A_204 = tpu.vector_load %arg13[%get3A_203] {strides = array<i32>} : memref<80xi32, #tpu.memory_space<vmem>>, vector<16xi32>,
    %mul3A_205 = arith.constant 2 : i32
    %mul3A_206 = vector.broadcast %mul3A_205 : i32 to vector<16xi32>
    %mul3A_207 = arith.muli %get3A_204, %mul3A_206 : vector<16xi32>
    %get3A_208 = arith.constant 48 : index
    %get3A_209 = tpu.vector_load %arg12[%get3A_208] {strides = array<i32>} : memref<80xi32, #tpu.memory_space<vmem>>, vector<16xi32>,
    %mul3A_210 = arith.constant 2 : i32
    %mul3A_211 = vector.broadcast %mul3A_210 : i32 to vector<16xi32>
    %mul3A_212 = arith.muli %get3A_209, %mul3A_211 : vector<16xi32>
    %gather3A_213 = tpu.vector_load_idx %arg14[%add3A_202, %broadcast_in_dim3A_5] : memref<80x128xf32, #tpu.memory_space<vmem>>[vector<16xi32>, vector<16xi32>], vector<16xf32>,
    %gather3A_214 = tpu.vector_load_idx %arg14[%add3A_202, %broadcast_in_dim3A_7] : memref<80x128xf32, #tpu.memory_space<vmem>>[vector<16xi32>, vector<16xi32>], vector<16xf32>,
    %gather3A_215 = tpu.vector_load_idx %arg19[%mul3A_212] : memref<20000xf32, #tpu.memory_space<vmem>>[vector<16xi32>], vector<16xf32>,
    %add3A_216 = arith.constant 1 : i32
    %add3A_217 = vector.broadcast %add3A_216 : i32 to vector<16xi32>
    %add3A_218 = arith.addi %mul3A_212, %add3A_217 : vector<16xi32>
    %gather3A_219 = tpu.vector_load_idx %arg19[%add3A_218] : memref<20000xf32, #tpu.memory_space<vmem>>[vector<16xi32>], vector<16xf32>,
    %gather3A_220 = tpu.vector_load_idx %arg22[%mul3A_207] : memref<32xf32, #tpu.memory_space<vmem>>[vector<16xi32>], vector<16xf32>,
    %add3A_221 = arith.constant 1 : i32
    %add3A_222 = vector.broadcast %add3A_221 : i32 to vector<16xi32>
    %add3A_223 = arith.addi %mul3A_207, %add3A_222 : vector<16xi32>
    %gather3A_224 = tpu.vector_load_idx %arg22[%add3A_223] : memref<32xf32, #tpu.memory_space<vmem>>[vector<16xi32>], vector<16xf32>,
    %add3A_225 = arith.addf %gather3A_213, %gather3A_215 : vector<16xf32>
    %add3A_226 = arith.addf %add3A_225, %gather3A_220 : vector<16xf32>
    %add3A_227 = arith.addf %gather3A_214, %gather3A_219 : vector<16xf32>
    %add3A_228 = arith.addf %add3A_227, %gather3A_224 : vector<16xf32>
    %mul3A_229 = arith.constant 2.000000e-01 : f32
    %mul3A_230 = vector.broadcast %mul3A_229 : f32 to vector<16xf32>
    %mul3A_231 = arith.mulf %mul3A_230, %add3A_226 : vector<16xf32>
    %max3A_232 = arith.maximumf %add3A_226, %mul3A_231 : vector<16xf32>
    %exp3A_233 = math.exp %max3A_232 : vector<16xf32>
    %mul3A_234 = arith.constant 2.000000e-01 : f32
    %mul3A_235 = vector.broadcast %mul3A_234 : f32 to vector<16xf32>
    %mul3A_236 = arith.mulf %mul3A_235, %add3A_228 : vector<16xf32>
    %max3A_237 = arith.maximumf %add3A_228, %mul3A_236 : vector<16xf32>
    %exp3A_238 = math.exp %max3A_237 : vector<16xf32>
    %swap3A_239 = arith.constant 0 : i32
    %swap3A_240 = arith.index_cast %swap3A_239 : i32 to index
    %swap3A_241 = arith.constant 48 : index
    %swap3A_242 = tpu.vector_load %arg20[%swap3A_240, %swap3A_241] {strides = array<i32>} : memref<2x80xf32, #tpu.memory_space<vmem>>, vector<16xf32>,
    tpu.vector_store %arg20[%swap3A_240, %swap3A_241], %exp3A_233 {strides = array<i32>} : memref<2x80xf32, #tpu.memory_space<vmem>>, vector<16xf32>,
    %swap3A_243 = arith.constant 1 : i32
    %swap3A_244 = arith.index_cast %swap3A_243 : i32 to index
    %swap3A_245 = arith.constant 48 : index
    %swap3A_246 = tpu.vector_load %arg20[%swap3A_244, %swap3A_245] {strides = array<i32>} : memref<2x80xf32, #tpu.memory_space<vmem>>, vector<16xf32>,
    tpu.vector_store %arg20[%swap3A_244, %swap3A_245], %exp3A_238 {strides = array<i32>} : memref<2x80xf32, #tpu.memory_space<vmem>>, vector<16xf32>,
    tpu.vector_store_idx %arg14[%add3A_202, %broadcast_in_dim3A_5], %exp3A_233 : memref<80x128xf32, #tpu.memory_space<vmem>>[vector<16xi32>, vector<16xi32>], vector<16xf32>,
    tpu.vector_store_idx %arg14[%add3A_202, %broadcast_in_dim3A_7], %exp3A_238 : memref<80x128xf32, #tpu.memory_space<vmem>>[vector<16xi32>, vector<16xi32>], vector<16xf32>,
    %add3A_247 = arith.constant 64 : i32
    %add3A_248 = vector.broadcast %add3A_247 : i32 to vector<16xi32>
    %add3A_249 = arith.addi %add3A_248, %iota3A : vector<16xi32>
    %get3A_250 = arith.constant 64 : index
    %get3A_251 = tpu.vector_load %arg13[%get3A_250] {strides = array<i32>} : memref<80xi32, #tpu.memory_space<vmem>>, vector<16xi32>,
    %mul3A_252 = arith.constant 2 : i32
    %mul3A_253 = vector.broadcast %mul3A_252 : i32 to vector<16xi32>
    %mul3A_254 = arith.muli %get3A_251, %mul3A_253 : vector<16xi32>
    %get3A_255 = arith.constant 64 : index
    %get3A_256 = tpu.vector_load %arg12[%get3A_255] {strides = array<i32>} : memref<80xi32, #tpu.memory_space<vmem>>, vector<16xi32>,
    %mul3A_257 = arith.constant 2 : i32
    %mul3A_258 = vector.broadcast %mul3A_257 : i32 to vector<16xi32>
    %mul3A_259 = arith.muli %get3A_256, %mul3A_258 : vector<16xi32>
    %gather3A_260 = tpu.vector_load_idx %arg14[%add3A_249, %broadcast_in_dim3A_5] : memref<80x128xf32, #tpu.memory_space<vmem>>[vector<16xi32>, vector<16xi32>], vector<16xf32>,
    %gather3A_261 = tpu.vector_load_idx %arg14[%add3A_249, %broadcast_in_dim3A_7] : memref<80x128xf32, #tpu.memory_space<vmem>>[vector<16xi32>, vector<16xi32>], vector<16xf32>,
    %gather3A_262 = tpu.vector_load_idx %arg19[%mul3A_259] : memref<20000xf32, #tpu.memory_space<vmem>>[vector<16xi32>], vector<16xf32>,
    %add3A_263 = arith.constant 1 : i32
    %add3A_264 = vector.broadcast %add3A_263 : i32 to vector<16xi32>
    %add3A_265 = arith.addi %mul3A_259, %add3A_264 : vector<16xi32>
    %gather3A_266 = tpu.vector_load_idx %arg19[%add3A_265] : memref<20000xf32, #tpu.memory_space<vmem>>[vector<16xi32>], vector<16xf32>,
    %gather3A_267 = tpu.vector_load_idx %arg22[%mul3A_254] : memref<32xf32, #tpu.memory_space<vmem>>[vector<16xi32>], vector<16xf32>,
    %add3A_268 = arith.constant 1 : i32
    %add3A_269 = vector.broadcast %add3A_268 : i32 to vector<16xi32>
    %add3A_270 = arith.addi %mul3A_254, %add3A_269 : vector<16xi32>
    %gather3A_271 = tpu.vector_load_idx %arg22[%add3A_270] : memref<32xf32, #tpu.memory_space<vmem>>[vector<16xi32>], vector<16xf32>,
    %add3A_272 = arith.addf %gather3A_260, %gather3A_262 : vector<16xf32>
    %add3A_273 = arith.addf %add3A_272, %gather3A_267 : vector<16xf32>
    %add3A_274 = arith.addf %gather3A_261, %gather3A_266 : vector<16xf32>
    %add3A_275 = arith.addf %add3A_274, %gather3A_271 : vector<16xf32>
    %mul3A_276 = arith.constant 2.000000e-01 : f32
    %mul3A_277 = vector.broadcast %mul3A_276 : f32 to vector<16xf32>
    %mul3A_278 = arith.mulf %mul3A_277, %add3A_273 : vector<16xf32>
    %max3A_279 = arith.maximumf %add3A_273, %mul3A_278 : vector<16xf32>
    %exp3A_280 = math.exp %max3A_279 : vector<16xf32>
    %mul3A_281 = arith.constant 2.000000e-01 : f32
    %mul3A_282 = vector.broadcast %mul3A_281 : f32 to vector<16xf32>
    %mul3A_283 = arith.mulf %mul3A_282, %add3A_275 : vector<16xf32>
    %max3A_284 = arith.maximumf %add3A_275, %mul3A_283 : vector<16xf32>
    %exp3A_285 = math.exp %max3A_284 : vector<16xf32>
    %swap3A_286 = arith.constant 0 : i32
    %swap3A_287 = arith.index_cast %swap3A_286 : i32 to index
    %swap3A_288 = arith.constant 64 : index
    %swap3A_289 = tpu.vector_load %arg20[%swap3A_287, %swap3A_288] {strides = array<i32>} : memref<2x80xf32, #tpu.memory_space<vmem>>, vector<16xf32>,
    tpu.vector_store %arg20[%swap3A_287, %swap3A_288], %exp3A_280 {strides = array<i32>} : memref<2x80xf32, #tpu.memory_space<vmem>>, vector<16xf32>,
    %swap3A_290 = arith.constant 1 : i32
    %swap3A_291 = arith.index_cast %swap3A_290 : i32 to index
    %swap3A_292 = arith.constant 64 : index
    %swap3A_293 = tpu.vector_load %arg20[%swap3A_291, %swap3A_292] {strides = array<i32>} : memref<2x80xf32, #tpu.memory_space<vmem>>, vector<16xf32>,
    tpu.vector_store %arg20[%swap3A_291, %swap3A_292], %exp3A_285 {strides = array<i32>} : memref<2x80xf32, #tpu.memory_space<vmem>>, vector<16xf32>,
    tpu.vector_store_idx %arg14[%add3A_249, %broadcast_in_dim3A_5], %exp3A_280 : memref<80x128xf32, #tpu.memory_space<vmem>>[vector<16xi32>, vector<16xi32>], vector<16xf32>,
    tpu.vector_store_idx %arg14[%add3A_249, %broadcast_in_dim3A_7], %exp3A_285 : memref<80x128xf32, #tpu.memory_space<vmem>>[vector<16xi32>, vector<16xi32>], vector<16xf32>,
    "tpu.region"() ({
      %run_scoped3A = tpu.sem_alloc : memref<!tpu.dma_semaphore, #tpu.memory_space<semaphore_mem>>
      %dma_start3A_299 = arith.constant 0 : i32
      %dma_start3A_300 = arith.constant 0 : i32
      %dma_start3A_301 = tpu.memref_slice %arg25[%dma_start3A_299, %dma_start3A_300] : memref<10112x128xf32, #tpu.memory_space<vmem_shared>> -> memref<10112x128xf32, #tpu.memory_space<vmem_shared>>
      tpu.enqueue_indirect_dma source(%arg14 : memref<80x128xf32, #tpu.memory_space<vmem>>) target(%dma_start3A_301 : memref<10112x128xf32, #tpu.memory_space<vmem_shared>>) offsets(%arg12 : memref<80xi32, #tpu.memory_space<vmem>>) semaphore(%run_scoped3A : memref<!tpu.dma_semaphore, #tpu.memory_space<semaphore_mem>>) {add = true}
      %dma_wait3A_302 = arith.constant 0 : i32
      %dma_wait3A_303 = arith.constant 0 : i32
      %dma_wait3A_304 = tpu.memref_slice %arg25[%dma_wait3A_302, %dma_wait3A_303] : memref<10112x128xf32, #tpu.memory_space<vmem_shared>> -> memref<10112x128xf32, #tpu.memory_space<vmem_shared>>
      tpu.wait_indirect_dma semaphore(%run_scoped3A : memref<!tpu.dma_semaphore, #tpu.memory_space<semaphore_mem>>) src(%arg14 : memref<80x128xf32, #tpu.memory_space<vmem>>) dst(%dma_wait3A_304 : memref<10112x128xf32, #tpu.memory_space<vmem_shared>>)
      tpu.yield
    }) : () -> ()
    %barrier3A_294 = arith.constant 0 : index
    tpu.barrier barrier_id(%barrier3A_294)
    %mul3A_295 = arith.constant 632 : i32
    %mul3A_296 = arith.muli %arg1, %mul3A_295 : i32
    %mul3A_297 = arith.constant 632 : i32
    %mul3A_298 = arith.muli %arg1, %mul3A_297 : i32
    "tpu.region"() ({
      %run_scoped3A = tpu.sem_alloc : memref<!tpu.dma_semaphore, #tpu.memory_space<semaphore_mem>>
      %dma_start3A_299 = arith.constant 0 : i32
      %dma_start3A_300 = tpu.memref_slice %arg10[%arg0, %mul3A_298, %dma_start3A_299] : memref<2x10112x128xf32, #tpu.memory_space<hbm>> -> memref<1x632x128xf32, #tpu.memory_space<hbm>>
      %dma_start3A_301 = tpu.memref_squeeze %dma_start3A_300 : memref<1x632x128xf32, #tpu.memory_space<hbm>> -> memref<632x128xf32, #tpu.memory_space<hbm>>
      %dma_start3A_302 = arith.constant 0 : i32
      %dma_start3A_303 = tpu.memref_slice %arg25[%mul3A_296, %dma_start3A_302] : memref<10112x128xf32, #tpu.memory_space<vmem_shared>> -> memref<632x128xf32, #tpu.memory_space<vmem_shared>>
      tpu.enqueue_dma source(%dma_start3A_303 : memref<632x128xf32, #tpu.memory_space<vmem_shared>>) target(%dma_start3A_301 : memref<632x128xf32, #tpu.memory_space<hbm>>) target_semaphore(%run_scoped3A : memref<!tpu.dma_semaphore, #tpu.memory_space<semaphore_mem>>)
      %dma_wait3A_304 = arith.constant 0 : i32
      %dma_wait3A_305 = tpu.memref_slice %arg10[%arg0, %mul3A_298, %dma_wait3A_304] : memref<2x10112x128xf32, #tpu.memory_space<hbm>> -> memref<1x632x128xf32, #tpu.memory_space<hbm>>
      %dma_wait3A_306 = tpu.memref_squeeze %dma_wait3A_305 : memref<1x632x128xf32, #tpu.memory_space<hbm>> -> memref<632x128xf32, #tpu.memory_space<hbm>>
      %dma_wait3A_307 = arith.constant 0 : i32
      %dma_wait3A_308 = tpu.memref_slice %arg25[%mul3A_296, %dma_wait3A_307] : memref<10112x128xf32, #tpu.memory_space<vmem_shared>> -> memref<632x128xf32, #tpu.memory_space<vmem_shared>>
      tpu.wait_dma2 semaphore(%run_scoped3A : memref<!tpu.dma_semaphore, #tpu.memory_space<semaphore_mem>>) src(%dma_wait3A_308 : memref<632x128xf32, #tpu.memory_space<vmem_shared>>) dst(%dma_wait3A_306 : memref<632x128xf32, #tpu.memory_space<hbm>>)
      tpu.yield
    }) : () -> ()
    return
  }
}

module attributes {stable_mosaic.version = 14 : i64} {
  func.func @_tc1_body(%arg0: i32, %arg1: memref<1000x128xf32, #tpu.memory_space<vmem>>, %arg2: memref<128x64xf32, #tpu.memory_space<vmem>>, %arg3: memref<128x64xf32, #tpu.memory_space<vmem>>, %arg4: memref<128x64xf32, #tpu.memory_space<vmem>>, %arg5: memref<1x64xf32, #tpu.memory_space<vmem>>, %arg6: memref<16x128xf32, #tpu.memory_space<vmem>>, %arg7: memref<128x64xf32, #tpu.memory_space<vmem>>, %arg8: memref<1000x128xf32, #tpu.memory_space<vmem>>, %arg9: memref<1000x2xf32, #tpu.memory_space<vmem>>, %arg10: memref<1000x64xf32, #tpu.memory_space<vmem>>, %arg11: memref<16x128xf32, #tpu.memory_space<vmem>>, %arg12: memref<16x2xf32, #tpu.memory_space<vmem>>, %arg13: memref<16x64xf32, #tpu.memory_space<vmem>>) attributes {dimension_semantics = [#tpu.dimension_semantics<arbitrary>], iteration_bounds = array<i64: 10>, scalar_prefetch = 0 : i64, scratch_operands = 0 : i64, tpu.core_type = #tpu.core_type<tc>, window_params = [{transform_indices = @transform_0, window_bounds = array<i64: 1000, 128>}, {pipeline_mode = #tpu.pipeline_mode<synchronous>, transform_indices = @transform_1, window_bounds = array<i64: 128, 64>}, {pipeline_mode = #tpu.pipeline_mode<synchronous>, transform_indices = @transform_2, window_bounds = array<i64: 128, 64>}, {pipeline_mode = #tpu.pipeline_mode<synchronous>, transform_indices = @transform_3, window_bounds = array<i64: 128, 64>}, {pipeline_mode = #tpu.pipeline_mode<synchronous>, transform_indices = @transform_4, window_bounds = array<i64: 1, 64>}, {pipeline_mode = #tpu.pipeline_mode<synchronous>, transform_indices = @transform_5, window_bounds = array<i64: 16, 128>}, {pipeline_mode = #tpu.pipeline_mode<synchronous>, transform_indices = @transform_6, window_bounds = array<i64: 128, 64>}, {transform_indices = @transform_7, window_bounds = array<i64: 1000, 128>}, {transform_indices = @transform_8, window_bounds = array<i64: 1000, 2>}, {transform_indices = @transform_9, window_bounds = array<i64: 1000, 64>}, {pipeline_mode = #tpu.pipeline_mode<synchronous>, transform_indices = @transform_10, window_bounds = array<i64: 16, 128>}, {pipeline_mode = #tpu.pipeline_mode<synchronous>, transform_indices = @transform_11, window_bounds = array<i64: 16, 2>}, {pipeline_mode = #tpu.pipeline_mode<synchronous>, transform_indices = @transform_12, window_bounds = array<i64: 16, 64>}]} {
    %get3A = arith.constant 0 : index
    %get3A_0 = arith.constant 0 : index
    %get3A_1 = vector.load %arg1[%get3A, %get3A_0] : memref<1000x128xf32, #tpu.memory_space<vmem>>, vector<1000x128xf32>
    %get3A_2 = arith.constant 0 : index
    %get3A_3 = arith.constant 0 : index
    %get3A_4 = vector.load %arg5[%get3A_2, %get3A_3] : memref<1x64xf32, #tpu.memory_space<vmem>>, vector<1x64xf32>
    %get3A_5 = arith.constant 0 : index
    %get3A_6 = arith.constant 0 : index
    %get3A_7 = vector.load %arg2[%get3A_5, %get3A_6] : memref<128x64xf32, #tpu.memory_space<vmem>>, vector<128x64xf32>
    %dot_general3A = arith.constant dense<0.000000e+00> : vector<1000x64xf32>
    %dot_general3A_8 = tpu.matmul %get3A_1, %get3A_7, %dot_general3A {dimension_numbers = #tpu.dot_dimension_numbers<[1], [0], [0], [1], [0, 0, 1, 1], [], []>, transpose_lhs_hint = false} : vector<1000x128xf32>, vector<128x64xf32>, vector<1000x64xf32> -> vector<1000x64xf32>
    %slice3A = vector.extract_strided_slice %dot_general3A_8 {offsets = [0, 0], sizes = [1000, 32], strides = [1, 1]} : vector<1000x64xf32> to vector<1000x32xf32>
    %slice3A_9 = vector.extract_strided_slice %get3A_4 {offsets = [0, 0], sizes = [1, 32], strides = [1, 1]} : vector<1x64xf32> to vector<1x32xf32>
    %mul3A = vector.broadcast %slice3A_9 : vector<1x32xf32> to vector<1000x32xf32>
    %mul3A_10 = arith.mulf %slice3A, %mul3A : vector<1000x32xf32>
    %reduce_sum3A = arith.constant dense<0.000000e+00> : vector<1000xf32>
    %reduce_sum3A_11 = vector.multi_reduction <add>, %mul3A_10, %reduce_sum3A [1] : vector<1000x32xf32> to vector<1000xf32>
    %broadcast_in_dim3A = vector.shape_cast %reduce_sum3A_11 : vector<1000xf32> to vector<1000x1xf32>
    %slice3A_12 = vector.extract_strided_slice %dot_general3A_8 {offsets = [0, 32], sizes = [1000, 32], strides = [1, 1]} : vector<1000x64xf32> to vector<1000x32xf32>
    %slice3A_13 = vector.extract_strided_slice %get3A_4 {offsets = [0, 32], sizes = [1, 32], strides = [1, 1]} : vector<1x64xf32> to vector<1x32xf32>
    %mul3A_14 = vector.broadcast %slice3A_13 : vector<1x32xf32> to vector<1000x32xf32>
    %mul3A_15 = arith.mulf %slice3A_12, %mul3A_14 : vector<1000x32xf32>
    %reduce_sum3A_16 = arith.constant dense<0.000000e+00> : vector<1000xf32>
    %reduce_sum3A_17 = vector.multi_reduction <add>, %mul3A_15, %reduce_sum3A_16 [1] : vector<1000x32xf32> to vector<1000xf32>
    %broadcast_in_dim3A_18 = vector.shape_cast %reduce_sum3A_17 : vector<1000xf32> to vector<1000x1xf32>
    %broadcast_in_dim3A_19 = arith.constant 0.000000e+00 : f32
    %broadcast_in_dim3A_20 = vector.broadcast %broadcast_in_dim3A_19 : f32 to vector<1000x62xf32>
    %concatenate3A = tpu.concatenate %dot_general3A_8, %broadcast_in_dim3A, %broadcast_in_dim3A_18, %broadcast_in_dim3A_20 in 1 : vector<1000x64xf32>, vector<1000x1xf32>, vector<1000x1xf32>, vector<1000x62xf32> -> vector<1000x128xf32>
    %swap3A = arith.constant 0 : index
    %swap3A_21 = arith.constant 0 : index
    %swap3A_22 = vector.load %arg8[%swap3A, %swap3A_21] : memref<1000x128xf32, #tpu.memory_space<vmem>>, vector<1000x128xf32>
    tpu.vector_store %arg8[%swap3A, %swap3A_21], %concatenate3A {strides = array<i32>} : memref<1000x128xf32, #tpu.memory_space<vmem>>, vector<1000x128xf32>,
    %get3A_23 = arith.constant 0 : index
    %get3A_24 = arith.constant 0 : index
    %get3A_25 = vector.load %arg3[%get3A_23, %get3A_24] : memref<128x64xf32, #tpu.memory_space<vmem>>, vector<128x64xf32>
    %dot_general3A_26 = arith.constant dense<0.000000e+00> : vector<1000x64xf32>
    %dot_general3A_27 = tpu.matmul %get3A_1, %get3A_25, %dot_general3A_26 {dimension_numbers = #tpu.dot_dimension_numbers<[1], [0], [0], [1], [0, 0, 1, 1], [], []>, transpose_lhs_hint = false} : vector<1000x128xf32>, vector<128x64xf32>, vector<1000x64xf32> -> vector<1000x64xf32>
    %swap3A_28 = arith.constant 0 : index
    %swap3A_29 = arith.constant 0 : index
    %swap3A_30 = vector.load %arg10[%swap3A_28, %swap3A_29] : memref<1000x64xf32, #tpu.memory_space<vmem>>, vector<1000x64xf32>
    tpu.vector_store %arg10[%swap3A_28, %swap3A_29], %dot_general3A_27 {strides = array<i32>} : memref<1000x64xf32, #tpu.memory_space<vmem>>, vector<1000x64xf32>,
    %slice3A_31 = vector.extract_strided_slice %dot_general3A_27 {offsets = [0, 0], sizes = [1000, 32], strides = [1, 1]} : vector<1000x64xf32> to vector<1000x32xf32>
    %slice3A_32 = vector.extract_strided_slice %get3A_4 {offsets = [0, 0], sizes = [1, 32], strides = [1, 1]} : vector<1x64xf32> to vector<1x32xf32>
    %mul3A_33 = vector.broadcast %slice3A_32 : vector<1x32xf32> to vector<1000x32xf32>
    %mul3A_34 = arith.mulf %slice3A_31, %mul3A_33 : vector<1000x32xf32>
    %reduce_sum3A_35 = arith.constant dense<0.000000e+00> : vector<1000xf32>
    %reduce_sum3A_36 = vector.multi_reduction <add>, %mul3A_34, %reduce_sum3A_35 [1] : vector<1000x32xf32> to vector<1000xf32>
    %broadcast_in_dim3A_37 = vector.shape_cast %reduce_sum3A_36 : vector<1000xf32> to vector<1000x1xf32>
    %slice3A_38 = vector.extract_strided_slice %dot_general3A_27 {offsets = [0, 32], sizes = [1000, 32], strides = [1, 1]} : vector<1000x64xf32> to vector<1000x32xf32>
    %slice3A_39 = vector.extract_strided_slice %get3A_4 {offsets = [0, 32], sizes = [1, 32], strides = [1, 1]} : vector<1x64xf32> to vector<1x32xf32>
    %mul3A_40 = vector.broadcast %slice3A_39 : vector<1x32xf32> to vector<1000x32xf32>
    %mul3A_41 = arith.mulf %slice3A_38, %mul3A_40 : vector<1000x32xf32>
    %reduce_sum3A_42 = arith.constant dense<0.000000e+00> : vector<1000xf32>
    %reduce_sum3A_43 = vector.multi_reduction <add>, %mul3A_41, %reduce_sum3A_42 [1] : vector<1000x32xf32> to vector<1000xf32>
    %broadcast_in_dim3A_44 = vector.shape_cast %reduce_sum3A_43 : vector<1000xf32> to vector<1000x1xf32>
    %concatenate3A_45 = tpu.concatenate %broadcast_in_dim3A_37, %broadcast_in_dim3A_44 in 1 : vector<1000x1xf32>, vector<1000x1xf32> -> vector<1000x2xf32>
    %swap3A_46 = arith.constant 0 : index
    %swap3A_47 = arith.constant 0 : index
    %swap3A_48 = vector.load %arg9[%swap3A_46, %swap3A_47] : memref<1000x2xf32, #tpu.memory_space<vmem>>, vector<1000x2xf32>
    tpu.vector_store %arg9[%swap3A_46, %swap3A_47], %concatenate3A_45 {strides = array<i32>} : memref<1000x2xf32, #tpu.memory_space<vmem>>, vector<1000x2xf32>,
    %eq3A = arith.constant 0 : i32
    %eq3A_49 = arith.cmpi eq, %arg0, %eq3A : i32
    %convert_element_type3A = arith.extui %eq3A_49 : i1 to i32
    %cond3A = arith.constant 0 : i32
    %cond3A_50 = arith.cmpi ne, %convert_element_type3A, %cond3A : i32
    scf.if %cond3A_50 {
      %get3A_51 = arith.constant 0 : index
      %get3A_52 = arith.constant 0 : index
      %get3A_53 = vector.load %arg6[%get3A_51, %get3A_52] : memref<16x128xf32, #tpu.memory_space<vmem>>, vector<16x128xf32>
      %get3A_54 = arith.constant 0 : index
      %get3A_55 = arith.constant 0 : index
      %get3A_56 = vector.load %arg4[%get3A_54, %get3A_55] : memref<128x64xf32, #tpu.memory_space<vmem>>, vector<128x64xf32>
      %dot_general3A_57 = arith.constant dense<0.000000e+00> : vector<16x64xf32>
      %dot_general3A_58 = tpu.matmul %get3A_53, %get3A_56, %dot_general3A_57 {dimension_numbers = #tpu.dot_dimension_numbers<[1], [0], [0], [1], [0, 0, 1, 1], [], []>, transpose_lhs_hint = false} : vector<16x128xf32>, vector<128x64xf32>, vector<16x64xf32> -> vector<16x64xf32>
      %slice3A_59 = vector.extract_strided_slice %dot_general3A_58 {offsets = [0, 0], sizes = [16, 32], strides = [1, 1]} : vector<16x64xf32> to vector<16x32xf32>
      %slice3A_60 = vector.extract_strided_slice %get3A_4 {offsets = [0, 0], sizes = [1, 32], strides = [1, 1]} : vector<1x64xf32> to vector<1x32xf32>
      %mul3A_61 = vector.broadcast %slice3A_60 : vector<1x32xf32> to vector<16x32xf32>
      %mul3A_62 = arith.mulf %slice3A_59, %mul3A_61 : vector<16x32xf32>
      %reduce_sum3A_63 = arith.constant dense<0.000000e+00> : vector<16xf32>
      %reduce_sum3A_64 = vector.multi_reduction <add>, %mul3A_62, %reduce_sum3A_63 [1] : vector<16x32xf32> to vector<16xf32>
      %broadcast_in_dim3A_65 = vector.shape_cast %reduce_sum3A_64 : vector<16xf32> to vector<16x1xf32>
      %slice3A_66 = vector.extract_strided_slice %dot_general3A_58 {offsets = [0, 32], sizes = [16, 32], strides = [1, 1]} : vector<16x64xf32> to vector<16x32xf32>
      %slice3A_67 = vector.extract_strided_slice %get3A_4 {offsets = [0, 32], sizes = [1, 32], strides = [1, 1]} : vector<1x64xf32> to vector<1x32xf32>
      %mul3A_68 = vector.broadcast %slice3A_67 : vector<1x32xf32> to vector<16x32xf32>
      %mul3A_69 = arith.mulf %slice3A_66, %mul3A_68 : vector<16x32xf32>
      %reduce_sum3A_70 = arith.constant dense<0.000000e+00> : vector<16xf32>
      %reduce_sum3A_71 = vector.multi_reduction <add>, %mul3A_69, %reduce_sum3A_70 [1] : vector<16x32xf32> to vector<16xf32>
      %broadcast_in_dim3A_72 = vector.shape_cast %reduce_sum3A_71 : vector<16xf32> to vector<16x1xf32>
      %broadcast_in_dim3A_73 = arith.constant 0.000000e+00 : f32
      %broadcast_in_dim3A_74 = vector.broadcast %broadcast_in_dim3A_73 : f32 to vector<16x62xf32>
      %concatenate3A_75 = tpu.concatenate %dot_general3A_58, %broadcast_in_dim3A_65, %broadcast_in_dim3A_72, %broadcast_in_dim3A_74 in 1 : vector<16x64xf32>, vector<16x1xf32>, vector<16x1xf32>, vector<16x62xf32> -> vector<16x128xf32>
      %swap3A_76 = arith.constant 0 : index
      %swap3A_77 = arith.constant 0 : index
      %swap3A_78 = vector.load %arg11[%swap3A_76, %swap3A_77] : memref<16x128xf32, #tpu.memory_space<vmem>>, vector<16x128xf32>
      tpu.vector_store %arg11[%swap3A_76, %swap3A_77], %concatenate3A_75 {strides = array<i32>} : memref<16x128xf32, #tpu.memory_space<vmem>>, vector<16x128xf32>,
      %concatenate3A_79 = tpu.concatenate %broadcast_in_dim3A_65, %broadcast_in_dim3A_72 in 1 : vector<16x1xf32>, vector<16x1xf32> -> vector<16x2xf32>
      %swap3A_80 = arith.constant 0 : index
      %swap3A_81 = arith.constant 0 : index
      %swap3A_82 = vector.load %arg12[%swap3A_80, %swap3A_81] : memref<16x2xf32, #tpu.memory_space<vmem>>, vector<16x2xf32>
      tpu.vector_store %arg12[%swap3A_80, %swap3A_81], %concatenate3A_79 {strides = array<i32>} : memref<16x2xf32, #tpu.memory_space<vmem>>, vector<16x2xf32>,
      %get3A_83 = arith.constant 0 : index
      %get3A_84 = arith.constant 0 : index
      %get3A_85 = vector.load %arg7[%get3A_83, %get3A_84] : memref<128x64xf32, #tpu.memory_space<vmem>>, vector<128x64xf32>
      %dot_general3A_86 = arith.constant dense<0.000000e+00> : vector<16x64xf32>
      %dot_general3A_87 = tpu.matmul %get3A_53, %get3A_85, %dot_general3A_86 {dimension_numbers = #tpu.dot_dimension_numbers<[1], [0], [0], [1], [0, 0, 1, 1], [], []>, transpose_lhs_hint = false} : vector<16x128xf32>, vector<128x64xf32>, vector<16x64xf32> -> vector<16x64xf32>
      %swap3A_88 = arith.constant 0 : index
      %swap3A_89 = arith.constant 0 : index
      %swap3A_90 = vector.load %arg13[%swap3A_88, %swap3A_89] : memref<16x64xf32, #tpu.memory_space<vmem>>, vector<16x64xf32>
      tpu.vector_store %arg13[%swap3A_88, %swap3A_89], %dot_general3A_87 {strides = array<i32>} : memref<16x64xf32, #tpu.memory_space<vmem>>, vector<16x64xf32>,
    } else {
    }
    return
  }
  func.func @transform_0(%arg0: i32) -> (i32, i32) {
    %c0_i32 = arith.constant 0 : i32
    %c0_i32_0 = arith.constant 0 : i32
    return %arg0, %c0_i32 : i32, i32
  }
  func.func @transform_1(%arg0: i32) -> (i32, i32) {
    %c0_i32 = arith.constant 0 : i32
    %c0_i32_0 = arith.constant 0 : i32
    %c0_i32_1 = arith.constant 0 : i32
    return %c0_i32, %c0_i32_0 : i32, i32
  }
  func.func @transform_2(%arg0: i32) -> (i32, i32) {
    %c0_i32 = arith.constant 0 : i32
    %c0_i32_0 = arith.constant 0 : i32
    %c0_i32_1 = arith.constant 0 : i32
    return %c0_i32, %c0_i32_0 : i32, i32
  }
  func.func @transform_3(%arg0: i32) -> (i32, i32) {
    %c0_i32 = arith.constant 0 : i32
    %c0_i32_0 = arith.constant 0 : i32
    %c0_i32_1 = arith.constant 0 : i32
    return %c0_i32, %c0_i32_0 : i32, i32
  }
  func.func @transform_4(%arg0: i32) -> (i32, i32) {
    %c0_i32 = arith.constant 0 : i32
    %c0_i32_0 = arith.constant 0 : i32
    %c0_i32_1 = arith.constant 0 : i32
    return %c0_i32, %c0_i32_0 : i32, i32
  }
  func.func @transform_5(%arg0: i32) -> (i32, i32) {
    %c0_i32 = arith.constant 0 : i32
    %c0_i32_0 = arith.constant 0 : i32
    %c0_i32_1 = arith.constant 0 : i32
    return %c0_i32, %c0_i32_0 : i32, i32
  }
  func.func @transform_6(%arg0: i32) -> (i32, i32) {
    %c0_i32 = arith.constant 0 : i32
    %c0_i32_0 = arith.constant 0 : i32
    %c0_i32_1 = arith.constant 0 : i32
    return %c0_i32, %c0_i32_0 : i32, i32
  }
  func.func @transform_7(%arg0: i32) -> (i32, i32) {
    %c0_i32 = arith.constant 0 : i32
    %c0_i32_0 = arith.constant 0 : i32
    return %arg0, %c0_i32 : i32, i32
  }
  func.func @transform_8(%arg0: i32) -> (i32, i32) {
    %c0_i32 = arith.constant 0 : i32
    %c0_i32_0 = arith.constant 0 : i32
    return %arg0, %c0_i32 : i32, i32
  }
  func.func @transform_9(%arg0: i32) -> (i32, i32) {
    %c0_i32 = arith.constant 0 : i32
    %c0_i32_0 = arith.constant 0 : i32
    return %arg0, %c0_i32 : i32, i32
  }
  func.func @transform_10(%arg0: i32) -> (i32, i32) {
    %c0_i32 = arith.constant 0 : i32
    %c0_i32_0 = arith.constant 0 : i32
    %c0_i32_1 = arith.constant 0 : i32
    return %c0_i32, %c0_i32_0 : i32, i32
  }
  func.func @transform_11(%arg0: i32) -> (i32, i32) {
    %c0_i32 = arith.constant 0 : i32
    %c0_i32_0 = arith.constant 0 : i32
    %c0_i32_1 = arith.constant 0 : i32
    return %c0_i32, %c0_i32_0 : i32, i32
  }
  func.func @transform_12(%arg0: i32) -> (i32, i32) {
    %c0_i32 = arith.constant 0 : i32
    %c0_i32_0 = arith.constant 0 : i32
    %c0_i32_1 = arith.constant 0 : i32
    return %c0_i32, %c0_i32_0 : i32, i32
  }
}

module attributes {stable_mosaic.version = 14 : i64} {
  func.func @_tc2_body(%arg0: i32, %arg1: memref<1000x128xf32, #tpu.memory_space<vmem>>, %arg2: memref<1000x128xf32, #tpu.memory_space<vmem>>, %arg3: memref<1000x64xf32, #tpu.memory_space<vmem>>, %arg4: memref<1000x64xf32, #tpu.memory_space<vmem>>) attributes {dimension_semantics = [#tpu.dimension_semantics<arbitrary>], iteration_bounds = array<i64: 10>, scalar_prefetch = 0 : i64, scratch_operands = 0 : i64, tpu.core_type = #tpu.core_type<tc>, window_params = [{transform_indices = @transform_0, window_bounds = array<i64: 1000, 128>}, {transform_indices = @transform_1, window_bounds = array<i64: 1000, 128>}, {transform_indices = @transform_2, window_bounds = array<i64: 1000, 64>}, {transform_indices = @transform_3, window_bounds = array<i64: 1000, 64>}]} {
    %get3A = arith.constant 0 : index
    %get3A_0 = arith.constant 0 : index
    %get3A_1 = vector.load %arg1[%get3A, %get3A_0] : memref<1000x128xf32, #tpu.memory_space<vmem>>, vector<1000x128xf32>
    %get3A_2 = arith.constant 0 : index
    %get3A_3 = arith.constant 0 : index
    %get3A_4 = vector.load %arg2[%get3A_2, %get3A_3] : memref<1000x128xf32, #tpu.memory_space<vmem>>, vector<1000x128xf32>
    %add3A = arith.addf %get3A_1, %get3A_4 : vector<1000x128xf32>
    %get3A_5 = arith.constant 0 : index
    %get3A_6 = arith.constant 0 : index
    %get3A_7 = vector.load %arg3[%get3A_5, %get3A_6] : memref<1000x64xf32, #tpu.memory_space<vmem>>, vector<1000x64xf32>
    %slice3A = vector.extract_strided_slice %add3A {offsets = [0, 64], sizes = [1000, 1], strides = [1, 1]} : vector<1000x128xf32> to vector<1000x1xf32>
    %slice3A_8 = vector.extract_strided_slice %add3A {offsets = [0, 0], sizes = [1000, 32], strides = [1, 1]} : vector<1000x128xf32> to vector<1000x32xf32>
    %slice3A_9 = vector.extract_strided_slice %get3A_7 {offsets = [0, 0], sizes = [1000, 32], strides = [1, 1]} : vector<1000x64xf32> to vector<1000x32xf32>
    %mul3A = vector.broadcast %slice3A : vector<1000x1xf32> to vector<1000x32xf32>
    %mul3A_10 = arith.mulf %mul3A, %slice3A_9 : vector<1000x32xf32>
    %add3A_11 = arith.addf %slice3A_8, %mul3A_10 : vector<1000x32xf32>
    %add3A_12 = arith.constant 1.000000e-16 : f32
    %add3A_13 = vector.broadcast %add3A_12 : f32 to vector<1000x1xf32>
    %add3A_14 = arith.addf %slice3A, %add3A_13 : vector<1000x1xf32>
    %div3A = vector.broadcast %add3A_14 : vector<1000x1xf32> to vector<1000x32xf32>
    %div3A_15 = arith.divf %add3A_11, %div3A : vector<1000x32xf32>
    %gt3A = arith.constant 0.000000e+00 : f32
    %gt3A_16 = vector.broadcast %gt3A : f32 to vector<1000x32xf32>
    %gt3A_17 = arith.cmpf ogt, %div3A_15, %gt3A_16 : vector<1000x32xf32>
    %min3A = arith.constant 0.000000e+00 : f32
    %min3A_18 = vector.broadcast %min3A : f32 to vector<1000x32xf32>
    %min3A_19 = arith.minimumf %div3A_15, %min3A_18 : vector<1000x32xf32>
    %exp3A = math.exp %min3A_19 : vector<1000x32xf32>
    %sub3A = arith.constant 1.000000e+00 : f32
    %sub3A_20 = vector.broadcast %sub3A : f32 to vector<1000x32xf32>
    %sub3A_21 = arith.subf %exp3A, %sub3A_20 : vector<1000x32xf32>
    %select_n3A = arith.select %gt3A_17, %div3A_15, %sub3A_21 : vector<1000x32xi1>, vector<1000x32xf32>
    %slice3A_22 = vector.extract_strided_slice %add3A {offsets = [0, 65], sizes = [1000, 1], strides = [1, 1]} : vector<1000x128xf32> to vector<1000x1xf32>
    %slice3A_23 = vector.extract_strided_slice %add3A {offsets = [0, 32], sizes = [1000, 32], strides = [1, 1]} : vector<1000x128xf32> to vector<1000x32xf32>
    %slice3A_24 = vector.extract_strided_slice %get3A_7 {offsets = [0, 32], sizes = [1000, 32], strides = [1, 1]} : vector<1000x64xf32> to vector<1000x32xf32>
    %mul3A_25 = vector.broadcast %slice3A_22 : vector<1000x1xf32> to vector<1000x32xf32>
    %mul3A_26 = arith.mulf %mul3A_25, %slice3A_24 : vector<1000x32xf32>
    %add3A_27 = arith.addf %slice3A_23, %mul3A_26 : vector<1000x32xf32>
    %add3A_28 = arith.constant 1.000000e-16 : f32
    %add3A_29 = vector.broadcast %add3A_28 : f32 to vector<1000x1xf32>
    %add3A_30 = arith.addf %slice3A_22, %add3A_29 : vector<1000x1xf32>
    %div3A_31 = vector.broadcast %add3A_30 : vector<1000x1xf32> to vector<1000x32xf32>
    %div3A_32 = arith.divf %add3A_27, %div3A_31 : vector<1000x32xf32>
    %gt3A_33 = arith.constant 0.000000e+00 : f32
    %gt3A_34 = vector.broadcast %gt3A_33 : f32 to vector<1000x32xf32>
    %gt3A_35 = arith.cmpf ogt, %div3A_32, %gt3A_34 : vector<1000x32xf32>
    %min3A_36 = arith.constant 0.000000e+00 : f32
    %min3A_37 = vector.broadcast %min3A_36 : f32 to vector<1000x32xf32>
    %min3A_38 = arith.minimumf %div3A_32, %min3A_37 : vector<1000x32xf32>
    %exp3A_39 = math.exp %min3A_38 : vector<1000x32xf32>
    %sub3A_40 = arith.constant 1.000000e+00 : f32
    %sub3A_41 = vector.broadcast %sub3A_40 : f32 to vector<1000x32xf32>
    %sub3A_42 = arith.subf %exp3A_39, %sub3A_41 : vector<1000x32xf32>
    %select_n3A_43 = arith.select %gt3A_35, %div3A_32, %sub3A_42 : vector<1000x32xi1>, vector<1000x32xf32>
    %concatenate3A = tpu.concatenate %select_n3A, %select_n3A_43 in 1 : vector<1000x32xf32>, vector<1000x32xf32> -> vector<1000x64xf32>
    %swap3A = arith.constant 0 : index
    %swap3A_44 = arith.constant 0 : index
    %swap3A_45 = vector.load %arg4[%swap3A, %swap3A_44] : memref<1000x64xf32, #tpu.memory_space<vmem>>, vector<1000x64xf32>
    tpu.vector_store %arg4[%swap3A, %swap3A_44], %concatenate3A {strides = array<i32>} : memref<1000x64xf32, #tpu.memory_space<vmem>>, vector<1000x64xf32>,
    return
  }
  func.func @transform_0(%arg0: i32) -> (i32, i32) {
    %c0_i32 = arith.constant 0 : i32
    %c0_i32_0 = arith.constant 0 : i32
    return %arg0, %c0_i32 : i32, i32
  }
  func.func @transform_1(%arg0: i32) -> (i32, i32) {
    %c0_i32 = arith.constant 0 : i32
    %c0_i32_0 = arith.constant 0 : i32
    return %arg0, %c0_i32 : i32, i32
  }
  func.func @transform_2(%arg0: i32) -> (i32, i32) {
    %c0_i32 = arith.constant 0 : i32
    %c0_i32_0 = arith.constant 0 : i32
    return %arg0, %c0_i32 : i32, i32
  }
  func.func @transform_3(%arg0: i32) -> (i32, i32) {
    %c0_i32 = arith.constant 0 : i32
    %c0_i32_0 = arith.constant 0 : i32
    return %arg0, %c0_i32 : i32, i32
  }
}

</mosaic_0001>

<sc_bundles>
// kernel: kernel.5.cloned.1.call-start
scs
__scs_entry_jumppad:
0x0: {  	(pc) =	sbr.rel $0x88, $3  }
0x1: {  	(tag) =	ssettag $0x0;
	lr =	simm.s32 $0x1  }
0x2: {  	[smem:$0x3F9A] =	sst lr;
	_ =	strace $0xD0000000  }
0x3: {  	_ = 	snop  }
0x4: {  	_ = 	snop  }
0x5: {  	_ = 	snop  }
0x6: {  	_ = 	snop  }
0x7: {  	_ = 	snop  }
__scs_overlays_trampoline_lowered:
0x8: {  	[smem:$0x3FA9] =	sst s0  }
0x9: {  	[smem:$0x3FAA] =	sst s1  }
0xa: {  	[smem:$0x3FAB] =	sst s2  }
0xb: {  	[smem:$0x3FAC] =	sst s3  }
0xc: {  	[smem:$0x3FAD] =	sst s4  }
0xd: {  	[smem:$0x3FAE] =	sst s5  }
0xe: {  	[smem:$0x3FAF] =	sst s6  }
0xf: {  	[smem:$0x3FB0] =	sst s7  }
0x10: {  	[smem:$0x3FB1] =	sst s8  }
0x11: {  	[smem:$0x3FB2] =	sst s9;
	s0 =	simm.s32 @!p0 $0x0  }
0x12: {  	s1 =	sld [smem:$0x3F98];
	s0 =	simm.s32 @p0 $0x1  }
0x13: {  	[smem:$0x3FB3] =	sst s0;
	s0 =	simm.s32 @!p1 $0x0  }
0x14: {  	s2 =	sld [smem:$0x3F97];
	s0 =	simm.s32 @p1 $0x1  }
0x15: {  	[smem:$0x3FB4] =	sst s0;
	s0 =	simm.s32 @!p2 $0x0  }
0x16: {  	s3 =	sld [smem:$0x3FDB];
	s0 =	simm.s32 @p2 $0x1  }
0x17: {  	s4 =	simm.s32 $0x1BF5;
	[smem:$0x3FB6] =	sst s0  }
0x18: {  	s0 =	sld [smem:$0x3F99];
	_ =	swait.ge [sflag:s4], $0x0  }
0x19: {  	s7 =	sld [smem:$0x3F9A]  }
0x1a: {  	s8 =	sadd.s32 $0xFFFFE003, lr  }
0x1b: {  	s9 =	sadd.s32 $0xFFFFFEF7, lr;
	s5 =	simm.s32 $0xFFFFFFFF;
	p2 =	slt.u32 s8, $0xFFFFF086  }
0x1c: {  	p1 =	slt.u32 s9, $0xF7A;
	s5 =	simm.s32 @!p2 $0x0  }
0x1d: {  	s5 =	simm.s32 @p1 $0x1;
	p0 =	seq.s32 s7, s2  }
0x1e: {  	s7 =	smul.u32 @!p0 $0xF7A, s2;
	p2 =	seq.s32 @!p0 s5, $0x0  }
0x1f: {  	s9 =	smul.u32 $0xF7A, s1;
	s8 =	simm.s32 @!p0 $0x1BF5;
	p2 =	por !p2, p0  }
0x20: {  	[sflag:s8] =	ssyncset.s32 @!p0 $0xFFFFF086;
	s6 =	sadd.s32 @!p0 s3, s7;
	s7 =	simm.s32 @!p0 $0x108  }
0x21: {  	s3 =	sadd.s32 s3, s9;
	s6 =	sadd.s32 @!p0 $0x88, s6;
	s7 =	simm.s32 @p2 $0x1082  }
0x22: {  	[simem:s7], [sflag:s8] =	dma.local @!p0 [hbm:s6], $0xF7A  }
0x23: {  	s9 =	sor.u32 $0xD0000000, s2;
	s6 =	simm.s32 $0x108;
	_ =	swait.ge @!p0 [sflag:s8], $0x0  }
0x24: {  	s3 =	sadd.s32 $0x88, s3;
	s6 =	simm.s32 @!p1 $0x1082;
	[sflag:s4] =	ssyncset.s32 $0xFFFFF086  }
0x25: {  	[simem:s6], [sflag:s4] =	dma.local [hbm:s3], $0xF7A  }
0x26: {  	[smem:$0x3F9A] =	sst s1;
	(tag) =	ssettag s2;
	_ =	strace s9  }
0x27: {  	s1 =	sld [smem:$0x3FAA]  }
0x28: {  	s2 =	sld [smem:$0x3FAB]  }
0x29: {  	s4 =	sld [smem:$0x3FAD]  }
0x2a: {  	p0 =	seq.s32 s5, $0x0;
	s5 =	sld [smem:$0x3FAE]  }
0x2b: {  	s6 =	sld [smem:$0x3FAF]  }
0x2c: {  	s7 =	sld [smem:$0x3FB0]  }
0x2d: {  	s3 =	simm.s32 $0x108;
	s8 =	sld [smem:$0x3FB1]  }
0x2e: {  	s3 =	simm.s32 @!p0 $0x1082;
	s9 =	sld [smem:$0x3FB2]  }
0x2f: {  	lr =	sadd.s32 s0, s3;
	s0 =	sld [smem:$0x3FA9]  }
0x30: {  	s3 =	sld [smem:$0x3FAC]  }
0x31: {  	[smem:$0x3FB5] =	sst s10  }
0x32: {  	s10 =	sld [smem:$0x3FB3];
	_ =	sdelay $0x3  }
0x33: {  	p0 =	seq.s32 s10, $0x1;
	s10 =	sld [smem:$0x3FB5];
	_ =	sdelay $0x3  }
0x34: {  	[smem:$0x3FB5] =	sst s10  }
0x35: {  	s10 =	sld [smem:$0x3FB4];
	_ =	sdelay $0x3  }
0x36: {  	p1 =	seq.s32 s10, $0x1;
	s10 =	sld [smem:$0x3FB5];
	_ =	sdelay $0x3  }
0x37: {  	[smem:$0x3FB5] =	sst s10  }
0x38: {  	s10 =	sld [smem:$0x3FB6]  }
0x39: {  	_ = 	snop;
	(pc) =	sbr.ind lr, $3  }
0x3a: {  	_ = 	snop  }
0x3b: {  	_ = 	snop  }
0x3c: {  	p2 =	seq.s32 s10, $0x1;
	s10 =	sld [smem:$0x3FB5]  }
0x3d: {  	_ =	shalt  }
0x3e: {  	_ =	shalt  }
0x3f: {  	_ =	shalt  }
0x40: {  	_ =	shalt  }
0x41: {  	_ =	shalt  }
0x42: {  	_ =	shalt  }
0x43: {  	_ =	shalt  }
0x44: {  	_ =	shalt  }
0x45: {  	_ =	shalt  }
0x46: {  	_ =	shalt  }
0x47: {  	_ =	shalt  }
0x48: {  	_ =	shalt  }
0x49: {  	_ =	shalt  }
0x4a: {  	_ =	shalt  }
0x4b: {  	_ =	shalt  }
0x4c: {  	_ =	shalt  }
0x4d: {  	_ =	shalt  }
0x4e: {  	_ =	shalt  }
0x4f: {  	_ =	shalt  }
0x50: {  	_ =	shalt  }
0x51: {  	_ =	shalt  }
0x52: {  	_ =	shalt  }
0x53: {  	_ =	shalt  }
0x54: {  	_ =	shalt  }
0x55: {  	_ =	shalt  }
0x56: {  	_ =	shalt  }
0x57: {  	_ =	shalt  }
0x58: {  	_ =	shalt  }
0x59: {  	_ =	shalt  }
0x5a: {  	_ =	shalt  }
0x5b: {  	_ =	shalt  }
0x5c: {  	_ =	shalt  }
0x5d: {  	_ =	shalt  }
0x5e: {  	_ =	shalt  }
0x5f: {  	_ =	shalt  }
0x60: {  	_ =	shalt  }
0x61: {  	_ =	shalt  }
0x62: {  	_ =	shalt  }
0x63: {  	_ =	shalt  }
0x64: {  	_ =	shalt  }
0x65: {  	_ =	shalt  }
0x66: {  	_ =	shalt  }
0x67: {  	_ =	shalt  }
0x68: {  	_ =	shalt  }
0x69: {  	_ =	shalt  }
0x6a: {  	_ =	shalt  }
0x6b: {  	_ =	shalt  }
0x6c: {  	_ =	shalt  }
0x6d: {  	_ =	shalt  }
0x6e: {  	_ =	shalt  }
0x6f: {  	_ =	shalt  }
0x70: {  	_ =	shalt  }
0x71: {  	_ =	shalt  }
0x72: {  	_ =	shalt  }
0x73: {  	_ =	shalt  }
0x74: {  	_ =	shalt  }
0x75: {  	_ =	shalt  }
0x76: {  	_ =	shalt  }
0x77: {  	_ =	shalt  }
0x78: {  	_ =	shalt  }
0x79: {  	_ =	shalt  }
0x7a: {  	_ =	shalt  }
0x7b: {  	_ =	shalt  }
0x7c: {  	_ =	shalt  }
0x7d: {  	_ =	shalt  }
0x7e: {  	_ =	shalt  }
0x7f: {  	_ =	shalt  }
0x80: {  	_ =	shalt  }
0x81: {  	_ =	shalt  }
0x82: {  	_ =	shalt  }
0x83: {  	_ =	shalt  }
0x84: {  	_ =	shalt  }
0x85: {  	_ =	shalt  }
0x86: {  	_ =	shalt  }
0x87: {  	_ =	shalt  }
.Lfunc_end0:
.L_simem_size_0:
called_computation_lowered:
.L_overlay_start_0:
0x88: {  	s2 =	sld [smem:$0x3FD9]  }
0x89: {  	s3 =	sld [smem:$0x3FFE];
	_ =	sdelay $0x1  }
0x8a: {  	s1 =	srdreg.scid  }
0x8b: {  	s0 =	sand.u32 $0x1, s1  }
0x8c: {  	s14 =	sshll.u32 s0, $0xA;
	s2 =	sadd.s32 s3, s2  }
0x8d: {  	s2 =	sadd.s32 s2, s14  }
0x8e: {  	[smem:$0x3FC1] =	sst s2  }
0x8f: {  	_ = 	snop  }
0x90: {  	s2 =	sld [smem:$0x3FD0];
	_ =	sdelay $0x2  }
0x91: {  	s4 =	simm.s32 $0xA;
	s5 =	simm.s32 $0x10;
	s15 =	sld [smem:$0x3FC7]  }
0x92: {  	[smem:s5], [sflag:s4] =	dma.local [hbm:s2], $0x1  }
0x93: {  	_ =	swait.eq [sflag:s4], $0x1  }
0x94: {  	[sflag:s4] =	ssyncset.done $0x0  }
0x95: {  	[sflag:s4] =	ssyncadd.s32 $0xFFFFFFFF  }
0x96: {  	s16 =	sld [smem:$0x10];
	(tm) =	ssettm $0x1  }
0x97: {  	s17 =	sld [smem:$0x3FFB];
	_ =	sdelay $0x3  }
0x98: {  	_ =	strace s17  }
0x99: {  	s4 =	sld [smem:$0x3FFC];
	_ =	sdelay $0x3  }
0x9a: {  	_ =	strace s4  }
0x9b: {  	s4 =	sld [smem:$0x3FFD];
	_ =	sdelay $0x3  }
0x9c: {  	_ =	strace s4  }
0x9d: {  	_ =	strace $0x8FFFFFFF  }
0x9e: {  	s18 =	sld [smem:$0x3FDB];
	_ =	sdelay $0x1  }
0x9f: {  	s19 =	simm.s32 $_scs_section_size  }
0xa0: {  	s6 =	simm.s32 $_size__tile_overlayer_lowered;
	s7 =	simm.s32 $_tile_overlayer_lowered  }
0xa1: {  	s22 =	simm.s32 $0x1BFF;
	s21 =	sshll.u32 s7, $0x1;
	s4 =	sadd.s32 s19, s18  }
0xa2: {  	s8 =	simm.s32 $0x0;
	s20 =	sshll.u32 s6, $0x1;
	s6 =	sadd.s32 s21, s4  }
0xa3: {  	[timem:s8], [sflag:s22] =	dma.local [hbm:s6], s20  }
0xa4: {  	_ =	swait.ge [sflag:s22], s20  }
0xa5: {  	s5 =	ssub.s32 $0x0, s20;
	[sflag:s22] =	ssyncset.done $0x0  }
0xa6: {  	[sflag:s22] =	ssyncadd.s32 s5;
	_ =	sdelay $0x1  }
0xa7: {  	s23 =	simm.s32 $0x1B8B  }
0xa8: {  	_ =	swait.ge [sflag:s23], $0x1  }
0xa9: {  	[sflag:s23] =	ssyncset.done $0x0  }
0xaa: {  	s25 =	simm.s32 $0x1B8E;
	s24 =	sld [smem:$0x3FFE];
	[sflag:s23] =	ssyncadd.s32 $0xFFFFFFFF  }
0xab: {  	s26 =	simm.s32 $execute0_lowered;
	[smem:$0x3FD2] =	sst s25  }
0xac: {  	s6 =	sshll.u32 s26, $0x1;
	_ =	strace $0x80000046;
	[dreg:$0x1] =	wrdreg $0xFFFFFFFF  }
0xad: {  	s28 =	simm.s32 $_size_execute0_lowered;
	s4 =	sadd.s32 s4, s6;
	[dreg:$0x0] =	wrdreg $0x0  }
0xae: {  	s6 =	sshll.u32 s28, $0x1;
	[dreg:$0x2] =	wrdreg s4  }
0xaf: {  	[dreg:$0x3] =	wrdreg s6  }
0xb0: {  	[dreg:$0x4] =	wrdreg $0xC0  }
0xb1: {  	_ =	task [dreg:s8], $0x5FFFF  }
0xb2: {  	[dreg:$0x1] =	wrdreg $0xFFFFFFFF  }
0xb3: {  	[dreg:$0x0] =	wrdreg $0x60  }
0xb4: {  	[dreg:$0x2] =	wrdreg s24  }
0xb5: {  	[dreg:$0x3] =	wrdreg s16  }
0xb6: {  	[dreg:$0x4] =	wrdreg s15  }
0xb7: {  	[dreg:$0x5] =	wrdreg $0xAB000  }
0xb8: {  	[dreg:$0x6] =	wrdreg $0x9  }
0xb9: {  	_ =	task.clear_ibuf [dreg:s8], $0x7FFFF;
	_ =	strace $0x90000046  }
0xba: {  	s29 =	simm.s32 $0x9;
	_ =	strace $0x80000048  }
0xbb: {  	_ =	swait.ge [sflag:s29], $0x1  }
0xbc: {  	[sflag:s29] =	ssyncadd.s32 $0xFFFFFFFF  }
0xbd: {  	_ =	strace $0x90000048  }
0xbe: {  	_ =	sfence  }
0xbf: {  	s30 =	sld [smem:$0x0];
	_ =	sdelay $0x2  }
0xc0: {  	s31 =	sshll.u32 s1, $0xD;
	s1 =	sshrl.u32 s1, $0x2  }
0xc1: {  	s3 =	sand.u32 $0x4000, s31;
	s1 =	sadd.s32 s1, s30  }
0xc2: {  	s0 =	sor.u32 s3, s0;
	s1 =	sshll.u32 s1, $0x11  }
0xc3: {  	s0 =	sor.u32 s1, s0  }
0xc4: {  	s0 =	sadd.s32 $0x8F2B, s0  }
0xc5: {  	[sflag:s0] =	ssyncadd.remote.s32 $0x1  }
0xc6: {  	_ =	sfence.sel $0xFFFF  }
0xc7: {  	[dreg:$0x0] =	wrdreg $0xFFFFFFFF;
	(pc) =	sbr.abs _section_cstart, $3  }
0xc8: {  	[dreg:$0x1] =	wrdreg $0xFFFFFFFF  }
0xc9: {  	_ =	task.clear_ibuf [dreg:s8], $0x2FFFF;
	_ =	strace $0x9FFFFFFF  }
0xca: {  	(tm) =	ssettm $0x7FFFFFFF  }
0xcb: {  	_ =	shalt  }
tec
execute0_lowered:
.L_overlay_start_1:
0x0: {  	(tag) =	ssettag $0x1  }
0x1: {  	s0 =	rddreg [dreg:$0x0]  }
0x2: {  	s1 =	rddreg [dreg:$0x1]  }
0x3: {  	s2 =	rddreg [dreg:$0x2]  }
0x4: {  	s3 =	rddreg [dreg:$0x3];
	s4 =	simm.s32 $0x0;
	s5 =	srdreg.scid  }
0x5: {  	s12 =	stileid.u32;
	s28 =	simm.s32 $0x100;
	s29 =	simm.s32 $0x1  }
0x6: {  	s30 =	simm.s32 $0x50;
	s31 =	simm.s32 $0x180;
	[smem:$0x7FF] =	sst s4  }
0x7: {  	s6 =	sadd.s32 $0xA800, s0;
	s5 =	sand.u32 $0x1, s5;
	s7 =	sadd.s32 $0x31E00, s0  }
0x8: {  	s8 =	sadd.s32 $0x31A00, s0;
	s15 =	sadd.s32 $0x31C00, s0;
	s16 =	smul.u32 $0x13C00, s12  }
0x9: {  	s19 =	smul.u32 $0x4F000, s12;
	_ =	strace $0x80000047;
	[dreg:$0x6] =	wrdreg s7  }
0xa: {  	s10 =	sadd.s32 $0xA00, s0;
	s25 =	smul.u32 $0x2710, s12;
	[dreg:$0x7] =	wrdreg s8  }
0xb: {  	s9 =	sadd.s32 $0x32800, s0;
	s14 =	smul.u32 $0x13C000, s5;
	[dreg:$0x8] =	wrdreg s15  }
0xc: {  	[dreg:$0x9] =	wrdreg s9;
	s17 =	sshll.u32 s5, $0x4;
	s11 =	ssub.s32 $0x2, s5  }
0xd: {  	s5 =	smul.u32 $0x27100, s5;
	s18 =	sor.u32 s12, s17;
	s20 =	sshrl.u32 s11, $0x1  }
0xe: {  	s9 =	sshrl.u32 s19, $0x2;
	s7 =	sadd.s32 s16, s14;
	s8 =	smul.u32 $0x2710, s18  }
0xf: {  	s9 =	sadd.s32 s9, s3;
	s5 =	sadd.s32 s25, s5;
	s25 =	simm.s32 $0x5300  }
0x10: {  	s7 =	sshrl.u32 s7, $0x3;
	[dreg:$0xa] =	wrdreg s9;
	s13 =	sadd.s32 $0xA0, s5  }
0x11: {  	s5 =	simm.s32 $0x2A00;
	s0 =	sadd.s32 s7, s0;
	s21 =	sshrl.u32 s8, $0x3  }
0x12: {  	s7 =	ssub.s32 s11, s20;
	s8 =	sadd.s32 $0xF0, s8;
	s22 =	sadd.s32 s10, s21  }
0x13: {  	v0 =	vlaneseq.u32;
	s23 =	sadd.s32 s1, s21;
	s24 =	sadd.s32 s2, s21;
	[dreg:$0x5] =	wrdreg s8  }
0x14: {  	v9 =	vmul.u32 $0x80, v0;
	s9 =	sadd.s32 $0xA, s21;
	s19 =	sadd.s32 $0x35000, s0;
	[dreg:$0xb] =	wrdreg s22  }
0x15: {  	s20 =	smax.u32 s7, $0x1;
	s0 =	simm.s32 $0x2;
	[dreg:$0xc] =	wrdreg s23  }
0x16: {  	v0 =	vor.u32 $0x40, v9;
	s7 =	simm.s32 $0x2A80;
	s8 =	simm.s32 $0x2B00;
	[dreg:$0xd] =	wrdreg s24  }
0x17: {  	v1 =	vor.u32 $0x41, v9;
	v2 =	vor.u32 $0x840, v9;
	v3 =	vor.u32 $0x841, v9;
	s26 =	sadd.s32 s10, s9;
	s17 =	sadd.s32 s1, s9;
	s18 =	sadd.s32 s2, s9  }
0x18: {  	v4 =	vor.u32 $0x1040, v9;
	v5 =	vor.u32 $0x1041, v9;
	v6 =	vor.u32 $0x1840, v9;
	s23 =	simm.s32 $0x3;
	s24 =	simm.s32 $0xAA80;
	s22 =	simm.s32 $0x2980  }
0x19: {  	v7 =	vor.u32 $0x1841, v9;
	v8 =	vor.u32 $0x2040, v9;
	v9 =	vor.u32 $0x2041, v9;
	s9 =	simm.s32 $0x0;
	[dreg:$0xe] =	wrdreg s26;
	s26 =	simm.s32 $0x80  }
.LBB2_1:
0x1a: {  	s11 =	rddreg [dreg:$0x7];
	s12 =	simm.s32 $0xA280  }
0x1b: {  	[tilespmem:s12], [sflag:$0x3] =	stream.linear.gather [hbm4b:s11+s4], $0x800, $0x38;
	[tilespmem:$0x1E700] =	vst v63  }
0x1c: {  	_ =	swait.ge [sflag:s23], $0x800  }
0x1d: {  	[sflag:s23] =	ssyncset.done $0x0  }
0x1e: {  	s12 =	rddreg [dreg:$0x8];
	[sflag:s23] =	ssyncadd.s32 $0xFFFFF800  }
0x1f: {  	[tilespmem:s24], [sflag:$0x3] =	stream.linear.gather [hbm4b:s12+s4], $0x80, $0x38;
	[tilespmem:$0x1E700] =	vst v63  }
0x20: {  	_ =	swait.ge [sflag:s23], $0x80  }
0x21: {  	[sflag:s23] =	ssyncset.done $0x0  }
0x22: {  	s15 =	stileid.u32;
	s14 =	rddreg [dreg:$0x6];
	[sflag:s23] =	ssyncadd.s32 $0xFFFFFF80  }
0x23: {  	[tilespmem:s25], [sflag:$0x3] =	stream.linear.gather [hbm4b:s14+s4], $0x4E80, $0x38;
	[tilespmem:$0x1E700] =	vst v63  }
0x24: {  	s11 =	sshll.u32 s15, $0x6;
	_ =	swait.ge [sflag:s23], $0x4E80  }
0x25: {  	s11 =	sor.u32 $0x1C03, s11;
	[sflag:s23] =	ssyncset.done $0x0;
	s16 =	rddreg [dreg:$0xa]  }
0x26: {  	s14 =	rddreg [dreg:$0x9];
	[sflag:s23] =	ssyncadd.s32 $0xFFFFB180;
	s12 =	sshrl.u32 s16, $0x3  }
0x27: {  	[spmem:s12], [sflag:s11] =	dma.local [hbm:s14], $0x2780  }
0x28: {  	_ =	swait.ge [sflag:s23], $0x2780  }
0x29: {  	[sflag:s23] =	ssyncset.done $0x0  }
0x2a: {  	[sflag:s23] =	ssyncadd.s32 $0xFFFFD880  }
0x2b: {  	[bflag:$0x0] =	sbarrier.arrive $0xFFFF  }
0x2c: {  	s21 =	rddreg [dreg:$0xb]  }
0x2d: {  	[tilespmem:s4], [sflag:$0x1] =	stream.linear.gather [hbm4b:s21+s4], $0x50, $0x38;
	[tilespmem:$0x1E700] =	vst v63  }
0x2e: {  	s15 =	rddreg [dreg:$0xc]  }
0x2f: {  	[tilespmem:s26], [sflag:$0x1] =	stream.linear.gather [hbm4b:s15+s4], $0x50, $0x38;
	[tilespmem:$0x1E700] =	vst v63  }
0x30: {  	s16 =	rddreg [dreg:$0xd]  }
0x31: {  	[tilespmem:s28], [sflag:$0x1] =	stream.linear.gather [hbm4b:s16+s4], $0x50, $0x38;
	[tilespmem:$0x1E700] =	vst v63  }
0x32: {  	_ =	swait.ge [sflag:s29], $0x50  }
0x33: {  	[sflag:s29] =	ssyncset.done $0x0  }
0x34: {  	[sflag:s29] =	ssyncadd.s32 $0xFFFFFFB0  }
0x35: {  	_ =	swait.ge [sflag:s29], $0x50  }
0x36: {  	[sflag:s29] =	ssyncset.done $0x0  }
0x37: {  	[sflag:s29] =	ssyncadd.s32 $0xFFFFFFB0  }
0x38: {  	_ =	swait.ge [sflag:s29], $0x50  }
0x39: {  	[sflag:s29] =	ssyncset.done $0x0  }
0x3a: {  	[sflag:s29] =	ssyncadd.s32 $0xFFFFFFB0  }
0x3b: {  	[tilespmem:s31], [sflag:$0x2] =	stream.indirect.gather [hbm4b:s6+s30], $0x80, s4, s30, $0xb8;
	[tilespmem:$0x1E700] =	vst v63  }
0x3c: {  	_ =	swait.ge [sflag:s0], $0x2800  }
0x3d: {  	[sflag:s0] =	ssyncset.done $0x0  }
0x3e: {  	s21 =	rddreg [dreg:$0xe];
	[sflag:s0] =	ssyncadd.s32 $0xFFFFD800  }
0x3f: {  	[tilespmem:s22], [sflag:$0x1] =	stream.linear.gather [hbm4b:s21+s4], $0x50, $0x38;
	[tilespmem:$0x1E700] =	vst v63  }
0x40: {  	_ = 	snop  }
0x41: {  	[tilespmem:s5], [sflag:$0x1] =	stream.linear.gather [hbm4b:s17+s4], $0x50, $0x38;
	[tilespmem:$0x1E700] =	vst v63  }
0x42: {  	s14 =	simm.s32 $0x0;
	s21 =	smov.u32 s13  }
0x43: {  	[tilespmem:s7], [sflag:$0x1] =	stream.linear.gather [hbm4b:s18+s4], $0x50, $0x38;
	[tilespmem:$0x1E700] =	vst v63  }
.LBB2_2:
0x44: {  	_ =	swait.ge [sflag:s29], $0x50  }
0x45: {  	[sflag:s29] =	ssyncset.done $0x0  }
0x46: {  	[sflag:s29] =	ssyncadd.s32 $0xFFFFFFB0  }
0x47: {  	_ =	swait.ge [sflag:s29], $0x50  }
0x48: {  	[sflag:s29] =	ssyncset.done $0x0  }
0x49: {  	[sflag:s29] =	ssyncadd.s32 $0xFFFFFFB0  }
0x4a: {  	_ =	swait.ge [sflag:s29], $0x50  }
0x4b: {  	[sflag:s29] =	ssyncset.done $0x0  }
0x4c: {  	[sflag:s29] =	ssyncadd.s32 $0xFFFFFFB0  }
0x4d: {  	[tilespmem:s8], [sflag:$0x2] =	stream.indirect.gather [hbm4b:s6+s30], $0x80, s22, s30, $0xb8;
	[tilespmem:$0x1E700] =	vst v63  }
0x4e: {  	v10 =	vld [tilespmem:$0x80];
	_ =	sdelay $0x1  }
0x4f: {  	v11 =	vld [tilespmem:$0x100];
	_ =	sdelay $0x2  }
0x50: {  	v10 =	vshll.u32 v10, $0x1  }
0x51: {  	v12 =	vor.u32 $0x1, v10  }
0x52: {  	v11 =	vshll.u32 v11, $0x1  }
0x53: {  	v13 =	vld.idx.msk [tilespmem:v0+s31+$0x0], $0xffff;
	v14 =	vor.u32 $0x1, v11  }
0x54: {  	v15 =	vld.idx.msk [tilespmem:v1+s31+$0x0], $0xffff  }
0x55: {  	v10 =	vld.idx.msk [tilespmem:v10+s25+$0x0], $0xffff  }
0x56: {  	v12 =	vld.idx.msk [tilespmem:v12+s25+$0x0], $0xffff  }
0x57: {  	v11 =	vld.idx.msk [tilespmem:v11+s24+$0x0], $0xffff  }
0x58: {  	v14 =	vld.idx.msk [tilespmem:v14+s24+$0x0], $0xffff;
	_ =	sdelay $0x1  }
0x59: {  	v10 =	vadd.f32 v10, v13  }
0x5a: {  	v12 =	vadd.f32 v12, v15  }
0x5b: {  	v10 =	vadd.f32 v11, v10  }
0x5c: {  	v11 =	vadd.f32 v14, v12  }
0x5d: {  	v54 =	vmul.f32 $2.000000030e-01, v10  }
0x5e: {  	v55 =	vmul.f32 $2.000000030e-01, v11  }
0x5f: {  	v10 =	vmax.f32 v10, v54  }
0x60: {  	v10 =	vmul.f32 $1.442695020e+00, v10;
	v11 =	vmax.f32 v11, v55  }
0x61: {  	v11 =	vmul.f32 $1.442695020e+00, v11  }
0x62: {  	(erf) = vpow2.f32 v10  }
0x63: {  	(erf) = vpow2.f32 v11;
	_ =	sdelay $0x7  }
0x64: {  	v10 =	vpop (erf)  }
0x65: {  	v11 =	vpop (erf);
	[tilespmem:$0xA180] =	vst v10  }
0x66: {  	[tilespmem:$0xA200] =	vst v11  }
0x67: {  	[tilespmem:v0+s31+$0x0] =	vst.idx.msk $0xffff, v10  }
0x68: {  	[tilespmem:v1+s31+$0x0] =	vst.idx.msk $0xffff, v11  }
0x69: {  	v10 =	vld [tilespmem:$0x90];
	_ =	sdelay $0x1  }
0x6a: {  	v11 =	vld [tilespmem:$0x110];
	_ =	sdelay $0x2  }
0x6b: {  	v10 =	vshll.u32 v10, $0x1  }
0x6c: {  	v56 =	vor.u32 $0x1, v10  }
0x6d: {  	v11 =	vshll.u32 v11, $0x1  }
0x6e: {  	v57 =	vld.idx.msk [tilespmem:v2+s31+$0x0], $0xffff;
	v58 =	vor.u32 $0x1, v11  }
0x6f: {  	v59 =	vld.idx.msk [tilespmem:v3+s31+$0x0], $0xffff  }
0x70: {  	v10 =	vld.idx.msk [tilespmem:v10+s25+$0x0], $0xffff  }
0x71: {  	v12 =	vld.idx.msk [tilespmem:v56+s25+$0x0], $0xffff  }
0x72: {  	v11 =	vld.idx.msk [tilespmem:v11+s24+$0x0], $0xffff  }
0x73: {  	v14 =	vld.idx.msk [tilespmem:v58+s24+$0x0], $0xffff;
	_ =	sdelay $0x1  }
0x74: {  	v10 =	vadd.f32 v10, v57  }
0x75: {  	v12 =	vadd.f32 v12, v59  }
0x76: {  	v10 =	vadd.f32 v11, v10  }
0x77: {  	v11 =	vadd.f32 v14, v12  }
0x78: {  	v60 =	vmul.f32 $2.000000030e-01, v10  }
0x79: {  	v61 =	vmul.f32 $2.000000030e-01, v11  }
0x7a: {  	v10 =	vmax.f32 v10, v60  }
0x7b: {  	v10 =	vmul.f32 $1.442695020e+00, v10;
	v11 =	vmax.f32 v11, v61  }
0x7c: {  	v11 =	vmul.f32 $1.442695020e+00, v11  }
0x7d: {  	(erf) = vpow2.f32 v10  }
0x7e: {  	(erf) = vpow2.f32 v11;
	_ =	sdelay $0x7  }
0x7f: {  	v10 =	vpop (erf)  }
0x80: {  	v11 =	vpop (erf);
	[tilespmem:$0xA190] =	vst v10  }
0x81: {  	[tilespmem:$0xA210] =	vst v11  }
0x82: {  	[tilespmem:v2+s31+$0x0] =	vst.idx.msk $0xffff, v10  }
0x83: {  	[tilespmem:v3+s31+$0x0] =	vst.idx.msk $0xffff, v11  }
0x84: {  	v10 =	vld [tilespmem:$0xA0];
	_ =	sdelay $0x1  }
0x85: {  	v11 =	vld [tilespmem:$0x120];
	_ =	sdelay $0x2  }
0x86: {  	v10 =	vshll.u32 v10, $0x1  }
0x87: {  	v62 =	vor.u32 $0x1, v10  }
0x88: {  	v11 =	vshll.u32 v11, $0x1  }
0x89: {  	v63 =	vld.idx.msk [tilespmem:v4+s31+$0x0], $0xffff;
	v18 =	vor.u32 $0x1, v11  }
0x8a: {  	v19 =	vld.idx.msk [tilespmem:v5+s31+$0x0], $0xffff  }
0x8b: {  	v10 =	vld.idx.msk [tilespmem:v10+s25+$0x0], $0xffff  }
0x8c: {  	v12 =	vld.idx.msk [tilespmem:v62+s25+$0x0], $0xffff  }
0x8d: {  	v11 =	vld.idx.msk [tilespmem:v11+s24+$0x0], $0xffff  }
0x8e: {  	v14 =	vld.idx.msk [tilespmem:v18+s24+$0x0], $0xffff;
	_ =	sdelay $0x1  }
0x8f: {  	v10 =	vadd.f32 v10, v63  }
0x90: {  	v12 =	vadd.f32 v12, v19  }
0x91: {  	v10 =	vadd.f32 v11, v10  }
0x92: {  	v11 =	vadd.f32 v14, v12  }
0x93: {  	v20 =	vmul.f32 $2.000000030e-01, v10  }
0x94: {  	v21 =	vmul.f32 $2.000000030e-01, v11  }
0x95: {  	v10 =	vmax.f32 v10, v20  }
0x96: {  	v10 =	vmul.f32 $1.442695020e+00, v10;
	v11 =	vmax.f32 v11, v21  }
0x97: {  	v11 =	vmul.f32 $1.442695020e+00, v11  }
0x98: {  	(erf) = vpow2.f32 v10  }
0x99: {  	(erf) = vpow2.f32 v11;
	_ =	sdelay $0x7  }
0x9a: {  	v10 =	vpop (erf)  }
0x9b: {  	v11 =	vpop (erf);
	[tilespmem:$0xA1A0] =	vst v10  }
0x9c: {  	[tilespmem:$0xA220] =	vst v11  }
0x9d: {  	[tilespmem:v4+s31+$0x0] =	vst.idx.msk $0xffff, v10  }
0x9e: {  	[tilespmem:v5+s31+$0x0] =	vst.idx.msk $0xffff, v11  }
0x9f: {  	v10 =	vld [tilespmem:$0xB0];
	_ =	sdelay $0x1  }
0xa0: {  	v11 =	vld [tilespmem:$0x130];
	_ =	sdelay $0x2  }
0xa1: {  	v10 =	vshll.u32 v10, $0x1  }
0xa2: {  	v22 =	vor.u32 $0x1, v10  }
0xa3: {  	v11 =	vshll.u32 v11, $0x1  }
0xa4: {  	v23 =	vld.idx.msk [tilespmem:v6+s31+$0x0], $0xffff;
	v24 =	vor.u32 $0x1, v11  }
0xa5: {  	v25 =	vld.idx.msk [tilespmem:v7+s31+$0x0], $0xffff  }
0xa6: {  	v10 =	vld.idx.msk [tilespmem:v10+s25+$0x0], $0xffff  }
0xa7: {  	v12 =	vld.idx.msk [tilespmem:v22+s25+$0x0], $0xffff  }
0xa8: {  	v11 =	vld.idx.msk [tilespmem:v11+s24+$0x0], $0xffff  }
0xa9: {  	v14 =	vld.idx.msk [tilespmem:v24+s24+$0x0], $0xffff;
	_ =	sdelay $0x1  }
0xaa: {  	v10 =	vadd.f32 v10, v23  }
0xab: {  	v12 =	vadd.f32 v12, v25  }
0xac: {  	v10 =	vadd.f32 v11, v10  }
0xad: {  	v11 =	vadd.f32 v14, v12  }
0xae: {  	v26 =	vmul.f32 $2.000000030e-01, v10  }
0xaf: {  	v27 =	vmul.f32 $2.000000030e-01, v11  }
0xb0: {  	v10 =	vmax.f32 v10, v26  }
0xb1: {  	v10 =	vmul.f32 $1.442695020e+00, v10;
	v11 =	vmax.f32 v11, v27  }
0xb2: {  	v11 =	vmul.f32 $1.442695020e+00, v11  }
0xb3: {  	(erf) = vpow2.f32 v10  }
0xb4: {  	(erf) = vpow2.f32 v11;
	_ =	sdelay $0x7  }
0xb5: {  	v10 =	vpop (erf)  }
0xb6: {  	v11 =	vpop (erf);
	[tilespmem:$0xA1B0] =	vst v10  }
0xb7: {  	[tilespmem:$0xA230] =	vst v11  }
0xb8: {  	[tilespmem:v6+s31+$0x0] =	vst.idx.msk $0xffff, v10  }
0xb9: {  	[tilespmem:v7+s31+$0x0] =	vst.idx.msk $0xffff, v11  }
0xba: {  	v10 =	vld [tilespmem:$0xC0];
	_ =	sdelay $0x1  }
0xbb: {  	v11 =	vld [tilespmem:$0x140];
	_ =	sdelay $0x2  }
0xbc: {  	v10 =	vshll.u32 v10, $0x1  }
0xbd: {  	v28 =	vor.u32 $0x1, v10  }
0xbe: {  	v11 =	vshll.u32 v11, $0x1  }
0xbf: {  	v29 =	vld.idx.msk [tilespmem:v8+s31+$0x0], $0xffff;
	v30 =	vor.u32 $0x1, v11  }
0xc0: {  	v31 =	vld.idx.msk [tilespmem:v9+s31+$0x0], $0xffff  }
0xc1: {  	v10 =	vld.idx.msk [tilespmem:v10+s25+$0x0], $0xffff  }
0xc2: {  	v12 =	vld.idx.msk [tilespmem:v28+s25+$0x0], $0xffff  }
0xc3: {  	v11 =	vld.idx.msk [tilespmem:v11+s24+$0x0], $0xffff  }
0xc4: {  	v14 =	vld.idx.msk [tilespmem:v30+s24+$0x0], $0xffff;
	_ =	sdelay $0x1  }
0xc5: {  	v10 =	vadd.f32 v10, v29  }
0xc6: {  	v12 =	vadd.f32 v12, v31  }
0xc7: {  	v10 =	vadd.f32 v11, v10  }
0xc8: {  	v11 =	vadd.f32 v14, v12  }
0xc9: {  	v32 =	vmul.f32 $2.000000030e-01, v10  }
0xca: {  	v33 =	vmul.f32 $2.000000030e-01, v11  }
0xcb: {  	v10 =	vmax.f32 v10, v32  }
0xcc: {  	v10 =	vmul.f32 $1.442695020e+00, v10;
	v11 =	vmax.f32 v11, v33  }
0xcd: {  	v11 =	vmul.f32 $1.442695020e+00, v11  }
0xce: {  	(erf) = vpow2.f32 v10  }
0xcf: {  	(erf) = vpow2.f32 v11;
	_ =	sdelay $0x7  }
0xd0: {  	v10 =	vpop (erf)  }
0xd1: {  	v11 =	vpop (erf);
	[tilespmem:$0xA1C0] =	vst v10  }
0xd2: {  	[tilespmem:$0xA240] =	vst v11  }
0xd3: {  	[tilespmem:v8+s31+$0x0] =	vst.idx.msk $0xffff, v10  }
0xd4: {  	[tilespmem:v9+s31+$0x0] =	vst.idx.msk $0xffff, v11  }
0xd5: {  	[spmem:s3] =	stream.indirect.scatter.add.f32 [tilespmem:s31], [sflag:$0x3], $0x80, s26, s30, $0xb8;
	[tilespmem:$0x1E700] =	vst v63  }
0xd6: {  	_ =	swait.ge [sflag:s23], $0x2800  }
0xd7: {  	s15 =	sshrl.u32 s21, $0x3;
	[sflag:s23] =	ssyncset.done $0x0  }
0xd8: {  	s16 =	sadd.s32 s10, s15;
	[sflag:s23] =	ssyncadd.s32 $0xFFFFD800  }
0xd9: {  	[tilespmem:s4], [sflag:$0x1] =	stream.linear.gather [hbm4b:s16+s4], $0x50, $0x38;
	[tilespmem:$0x1E700] =	vst v63  }
0xda: {  	s16 =	sadd.s32 s1, s15  }
0xdb: {  	[tilespmem:s26], [sflag:$0x1] =	stream.linear.gather [hbm4b:s16+s4], $0x50, $0x38;
	[tilespmem:$0x1E700] =	vst v63  }
0xdc: {  	s15 =	sadd.s32 s2, s15  }
0xdd: {  	[tilespmem:s28], [sflag:$0x1] =	stream.linear.gather [hbm4b:s15+s4], $0x50, $0x38;
	[tilespmem:$0x1E700] =	vst v63  }
0xde: {  	_ =	swait.ge [sflag:s0], $0x2800  }
0xdf: {  	[sflag:s0] =	ssyncset.done $0x0  }
0xe0: {  	[sflag:s0] =	ssyncadd.s32 $0xFFFFD800  }
0xe1: {  	_ =	swait.ge [sflag:s29], $0x50  }
0xe2: {  	[sflag:s29] =	ssyncset.done $0x0  }
0xe3: {  	[sflag:s29] =	ssyncadd.s32 $0xFFFFFFB0  }
0xe4: {  	_ =	swait.ge [sflag:s29], $0x50  }
0xe5: {  	[sflag:s29] =	ssyncset.done $0x0  }
0xe6: {  	[sflag:s29] =	ssyncadd.s32 $0xFFFFFFB0  }
0xe7: {  	_ =	swait.ge [sflag:s29], $0x50  }
0xe8: {  	[sflag:s29] =	ssyncset.done $0x0  }
0xe9: {  	[sflag:s29] =	ssyncadd.s32 $0xFFFFFFB0  }
0xea: {  	[tilespmem:s31], [sflag:$0x2] =	stream.indirect.gather [hbm4b:s6+s30], $0x80, s4, s30, $0xb8;
	[tilespmem:$0x1E700] =	vst v63  }
0xeb: {  	v10 =	vld [tilespmem:$0x2A00];
	_ =	sdelay $0x1  }
0xec: {  	v11 =	vld [tilespmem:$0x2A80];
	_ =	sdelay $0x2  }
0xed: {  	v10 =	vshll.u32 v10, $0x1  }
0xee: {  	v34 =	vor.u32 $0x1, v10  }
0xef: {  	v11 =	vshll.u32 v11, $0x1  }
0xf0: {  	v35 =	vld.idx.msk [tilespmem:v0+s8+$0x0], $0xffff;
	v36 =	vor.u32 $0x1, v11  }
0xf1: {  	v37 =	vld.idx.msk [tilespmem:v1+s8+$0x0], $0xffff  }
0xf2: {  	v10 =	vld.idx.msk [tilespmem:v10+s25+$0x0], $0xffff  }
0xf3: {  	v12 =	vld.idx.msk [tilespmem:v34+s25+$0x0], $0xffff  }
0xf4: {  	v11 =	vld.idx.msk [tilespmem:v11+s24+$0x0], $0xffff  }
0xf5: {  	v14 =	vld.idx.msk [tilespmem:v36+s24+$0x0], $0xffff;
	_ =	sdelay $0x1  }
0xf6: {  	v10 =	vadd.f32 v10, v35  }
0xf7: {  	v12 =	vadd.f32 v12, v37  }
0xf8: {  	v10 =	vadd.f32 v11, v10  }
0xf9: {  	v11 =	vadd.f32 v14, v12  }
0xfa: {  	v38 =	vmul.f32 $2.000000030e-01, v10  }
0xfb: {  	v39 =	vmul.f32 $2.000000030e-01, v11  }
0xfc: {  	v10 =	vmax.f32 v10, v38  }
0xfd: {  	v10 =	vmul.f32 $1.442695020e+00, v10;
	v11 =	vmax.f32 v11, v39  }
0xfe: {  	v11 =	vmul.f32 $1.442695020e+00, v11  }
0xff: {  	(erf) = vpow2.f32 v10  }
0x100: {  	(erf) = vpow2.f32 v11;
	_ =	sdelay $0x7  }
0x101: {  	v10 =	vpop (erf)  }
0x102: {  	v11 =	vpop (erf);
	[tilespmem:$0xA180] =	vst v10  }
0x103: {  	[tilespmem:$0xA200] =	vst v11  }
0x104: {  	[tilespmem:v0+s8+$0x0] =	vst.idx.msk $0xffff, v10  }
0x105: {  	[tilespmem:v1+s8+$0x0] =	vst.idx.msk $0xffff, v11  }
0x106: {  	v10 =	vld [tilespmem:$0x2A10];
	_ =	sdelay $0x1  }
0x107: {  	v11 =	vld [tilespmem:$0x2A90];
	_ =	sdelay $0x2  }
0x108: {  	v10 =	vshll.u32 v10, $0x1  }
0x109: {  	v40 =	vor.u32 $0x1, v10  }
0x10a: {  	v11 =	vshll.u32 v11, $0x1  }
0x10b: {  	v41 =	vld.idx.msk [tilespmem:v2+s8+$0x0], $0xffff;
	v42 =	vor.u32 $0x1, v11  }
0x10c: {  	v43 =	vld.idx.msk [tilespmem:v3+s8+$0x0], $0xffff  }
0x10d: {  	v10 =	vld.idx.msk [tilespmem:v10+s25+$0x0], $0xffff  }
0x10e: {  	v12 =	vld.idx.msk [tilespmem:v40+s25+$0x0], $0xffff  }
0x10f: {  	v11 =	vld.idx.msk [tilespmem:v11+s24+$0x0], $0xffff  }
0x110: {  	v14 =	vld.idx.msk [tilespmem:v42+s24+$0x0], $0xffff;
	_ =	sdelay $0x1  }
0x111: {  	v10 =	vadd.f32 v10, v41  }
0x112: {  	v12 =	vadd.f32 v12, v43  }
0x113: {  	v10 =	vadd.f32 v11, v10  }
0x114: {  	v11 =	vadd.f32 v14, v12  }
0x115: {  	v44 =	vmul.f32 $2.000000030e-01, v10  }
0x116: {  	v45 =	vmul.f32 $2.000000030e-01, v11  }
0x117: {  	v10 =	vmax.f32 v10, v44  }
0x118: {  	v10 =	vmul.f32 $1.442695020e+00, v10;
	v11 =	vmax.f32 v11, v45  }
0x119: {  	v11 =	vmul.f32 $1.442695020e+00, v11  }
0x11a: {  	(erf) = vpow2.f32 v10  }
0x11b: {  	(erf) = vpow2.f32 v11;
	_ =	sdelay $0x7  }
0x11c: {  	v10 =	vpop (erf)  }
0x11d: {  	v11 =	vpop (erf);
	[tilespmem:$0xA190] =	vst v10  }
0x11e: {  	[tilespmem:$0xA210] =	vst v11  }
0x11f: {  	[tilespmem:v2+s8+$0x0] =	vst.idx.msk $0xffff, v10  }
0x120: {  	[tilespmem:v3+s8+$0x0] =	vst.idx.msk $0xffff, v11  }
0x121: {  	v10 =	vld [tilespmem:$0x2A20];
	_ =	sdelay $0x1  }
0x122: {  	v11 =	vld [tilespmem:$0x2AA0];
	_ =	sdelay $0x2  }
0x123: {  	v10 =	vshll.u32 v10, $0x1  }
0x124: {  	v46 =	vor.u32 $0x1, v10  }
0x125: {  	v11 =	vshll.u32 v11, $0x1  }
0x126: {  	v47 =	vld.idx.msk [tilespmem:v4+s8+$0x0], $0xffff;
	v48 =	vor.u32 $0x1, v11  }
0x127: {  	v49 =	vld.idx.msk [tilespmem:v5+s8+$0x0], $0xffff  }
0x128: {  	v10 =	vld.idx.msk [tilespmem:v10+s25+$0x0], $0xffff  }
0x129: {  	v12 =	vld.idx.msk [tilespmem:v46+s25+$0x0], $0xffff  }
0x12a: {  	v11 =	vld.idx.msk [tilespmem:v11+s24+$0x0], $0xffff  }
0x12b: {  	v14 =	vld.idx.msk [tilespmem:v48+s24+$0x0], $0xffff;
	_ =	sdelay $0x1  }
0x12c: {  	v10 =	vadd.f32 v10, v47  }
0x12d: {  	v12 =	vadd.f32 v12, v49  }
0x12e: {  	v10 =	vadd.f32 v11, v10  }
0x12f: {  	v11 =	vadd.f32 v14, v12  }
0x130: {  	v50 =	vmul.f32 $2.000000030e-01, v10  }
0x131: {  	v51 =	vmul.f32 $2.000000030e-01, v11  }
0x132: {  	v10 =	vmax.f32 v10, v50  }
0x133: {  	v10 =	vmul.f32 $1.442695020e+00, v10;
	v11 =	vmax.f32 v11, v51  }
0x134: {  	v11 =	vmul.f32 $1.442695020e+00, v11  }
0x135: {  	(erf) = vpow2.f32 v10  }
0x136: {  	(erf) = vpow2.f32 v11;
	_ =	sdelay $0x7  }
0x137: {  	v10 =	vpop (erf)  }
0x138: {  	v11 =	vpop (erf);
	[tilespmem:$0xA1A0] =	vst v10  }
0x139: {  	[tilespmem:$0xA220] =	vst v11  }
0x13a: {  	[tilespmem:v4+s8+$0x0] =	vst.idx.msk $0xffff, v10  }
0x13b: {  	[tilespmem:v5+s8+$0x0] =	vst.idx.msk $0xffff, v11  }
0x13c: {  	v10 =	vld [tilespmem:$0x2A30];
	_ =	sdelay $0x1  }
0x13d: {  	v11 =	vld [tilespmem:$0x2AB0];
	_ =	sdelay $0x2  }
0x13e: {  	v10 =	vshll.u32 v10, $0x1  }
0x13f: {  	v52 =	vor.u32 $0x1, v10  }
0x140: {  	v11 =	vshll.u32 v11, $0x1  }
0x141: {  	v53 =	vld.idx.msk [tilespmem:v6+s8+$0x0], $0xffff;
	v54 =	vor.u32 $0x1, v11  }
0x142: {  	v55 =	vld.idx.msk [tilespmem:v7+s8+$0x0], $0xffff  }
0x143: {  	v10 =	vld.idx.msk [tilespmem:v10+s25+$0x0], $0xffff  }
0x144: {  	v12 =	vld.idx.msk [tilespmem:v52+s25+$0x0], $0xffff  }
0x145: {  	v11 =	vld.idx.msk [tilespmem:v11+s24+$0x0], $0xffff  }
0x146: {  	v14 =	vld.idx.msk [tilespmem:v54+s24+$0x0], $0xffff;
	_ =	sdelay $0x1  }
0x147: {  	v10 =	vadd.f32 v10, v53  }
0x148: {  	v12 =	vadd.f32 v12, v55  }
0x149: {  	v10 =	vadd.f32 v11, v10  }
0x14a: {  	v11 =	vadd.f32 v14, v12  }
0x14b: {  	v56 =	vmul.f32 $2.000000030e-01, v10  }
0x14c: {  	v57 =	vmul.f32 $2.000000030e-01, v11  }
0x14d: {  	v10 =	vmax.f32 v10, v56  }
0x14e: {  	v10 =	vmul.f32 $1.442695020e+00, v10;
	v11 =	vmax.f32 v11, v57  }
0x14f: {  	v11 =	vmul.f32 $1.442695020e+00, v11  }
0x150: {  	(erf) = vpow2.f32 v10  }
0x151: {  	(erf) = vpow2.f32 v11;
	_ =	sdelay $0x7  }
0x152: {  	v10 =	vpop (erf)  }
0x153: {  	v11 =	vpop (erf);
	[tilespmem:$0xA1B0] =	vst v10  }
0x154: {  	[tilespmem:$0xA230] =	vst v11  }
0x155: {  	[tilespmem:v6+s8+$0x0] =	vst.idx.msk $0xffff, v10  }
0x156: {  	[tilespmem:v7+s8+$0x0] =	vst.idx.msk $0xffff, v11  }
0x157: {  	v10 =	vld [tilespmem:$0x2A40];
	_ =	sdelay $0x1  }
0x158: {  	v11 =	vld [tilespmem:$0x2AC0];
	_ =	sdelay $0x2  }
0x159: {  	v10 =	vshll.u32 v10, $0x1  }
0x15a: {  	v58 =	vor.u32 $0x1, v10  }
0x15b: {  	v11 =	vshll.u32 v11, $0x1  }
0x15c: {  	v59 =	vld.idx.msk [tilespmem:v8+s8+$0x0], $0xffff;
	v60 =	vor.u32 $0x1, v11  }
0x15d: {  	v61 =	vld.idx.msk [tilespmem:v9+s8+$0x0], $0xffff  }
0x15e: {  	v10 =	vld.idx.msk [tilespmem:v10+s25+$0x0], $0xffff  }
0x15f: {  	v12 =	vld.idx.msk [tilespmem:v58+s25+$0x0], $0xffff  }
0x160: {  	v11 =	vld.idx.msk [tilespmem:v11+s24+$0x0], $0xffff  }
0x161: {  	v14 =	vld.idx.msk [tilespmem:v60+s24+$0x0], $0xffff;
	_ =	sdelay $0x1  }
0x162: {  	v10 =	vadd.f32 v10, v59  }
0x163: {  	v12 =	vadd.f32 v12, v61  }
0x164: {  	v10 =	vadd.f32 v11, v10  }
0x165: {  	v11 =	vadd.f32 v14, v12  }
0x166: {  	v62 =	vmul.f32 $2.000000030e-01, v10  }
0x167: {  	v63 =	vmul.f32 $2.000000030e-01, v11  }
0x168: {  	v10 =	vmax.f32 v10, v62  }
0x169: {  	v10 =	vmul.f32 $1.442695020e+00, v10;
	v11 =	vmax.f32 v11, v63  }
0x16a: {  	v11 =	vmul.f32 $1.442695020e+00, v11  }
0x16b: {  	(erf) = vpow2.f32 v10  }
0x16c: {  	(erf) = vpow2.f32 v11;
	_ =	sdelay $0x7  }
0x16d: {  	v10 =	vpop (erf)  }
0x16e: {  	v11 =	vpop (erf);
	[tilespmem:$0xA1C0] =	vst v10  }
0x16f: {  	[tilespmem:$0xA240] =	vst v11  }
0x170: {  	[tilespmem:v8+s8+$0x0] =	vst.idx.msk $0xffff, v10  }
0x171: {  	s15 =	smin.u32 s14, $0x79;
	[tilespmem:v9+s8+$0x0] =	vst.idx.msk $0xffff, v11  }
0x172: {  	[spmem:s3] =	stream.indirect.scatter.add.f32 [tilespmem:s8], [sflag:$0x3], $0x80, s5, s30, $0xb8;
	[tilespmem:$0x1E700] =	vst v63  }
0x173: {  	s15 =	smul.u32 $0x50, s15;
	_ =	swait.ge [sflag:s23], $0x2800  }
0x174: {  	s16 =	rddreg [dreg:$0x5]  }
0x175: {  	s15 =	sadd.s32 s15, s16  }
0x176: {  	[sflag:s23] =	ssyncset.done $0x0;
	s15 =	sshrl.u32 s15, $0x3  }
0x177: {  	[sflag:s23] =	ssyncadd.s32 $0xFFFFD800;
	s16 =	sadd.s32 s10, s15  }
0x178: {  	[tilespmem:s22], [sflag:$0x1] =	stream.linear.gather [hbm4b:s16+s4], $0x50, $0x38;
	[tilespmem:$0x1E700] =	vst v63  }
0x179: {  	p0 =	sne.s32 s14, $0x7A;
	s16 =	sadd.s32 s1, s15  }
0x17a: {  	[tilespmem:s5], [sflag:$0x1] =	stream.linear.gather [hbm4b:s16+s4], $0x50, $0x38;
	[tilespmem:$0x1E700] =	vst v63  }
.Ltmp0:
0x17b: {  	s15 =	sadd.s32 s2, s15;
	(pc) =	sbr.rel @p0 .LBB2_2-.Ltmp0, $4  }
0x17c: {  	[tilespmem:s7], [sflag:$0x1] =	stream.linear.gather [hbm4b:s15+s4], $0x50, $0x38;
	[tilespmem:$0x1E700] =	vst v63  }
0x17d: {  	_ =	swait.ge [sflag:s0], $0x2800  }
0x17e: {  	[sflag:s0] =	ssyncset.done $0x0  }
0x17f: {  	s21 =	sadd.s32 $0xA0, s21;
	s14 =	sadd.s32 $0x2, s14;
	[sflag:s0] =	ssyncadd.s32 $0xFFFFD800  }
0x180: {  	_ =	swait.ge [sflag:s29], $0x50  }
0x181: {  	[sflag:s29] =	ssyncset.done $0x0  }
0x182: {  	[sflag:s29] =	ssyncadd.s32 $0xFFFFFFB0  }
0x183: {  	_ =	swait.ge [sflag:s29], $0x50  }
0x184: {  	[sflag:s29] =	ssyncset.done $0x0  }
0x185: {  	[sflag:s29] =	ssyncadd.s32 $0xFFFFFFB0  }
0x186: {  	_ =	swait.ge [sflag:s29], $0x50  }
0x187: {  	[sflag:s29] =	ssyncset.done $0x0  }
0x188: {  	[sflag:s29] =	ssyncadd.s32 $0xFFFFFFB0  }
0x189: {  	v10 =	vld [tilespmem:$0x80];
	_ =	sdelay $0x1  }
0x18a: {  	v11 =	vld [tilespmem:$0x100];
	_ =	sdelay $0x2  }
0x18b: {  	v10 =	vshll.u32 v10, $0x1  }
0x18c: {  	v12 =	vor.u32 $0x1, v10  }
0x18d: {  	v11 =	vshll.u32 v11, $0x1  }
0x18e: {  	v13 =	vld.idx.msk [tilespmem:v0+s31+$0x0], $0xffff;
	v14 =	vor.u32 $0x1, v11  }
0x18f: {  	v15 =	vld.idx.msk [tilespmem:v1+s31+$0x0], $0xffff  }
0x190: {  	v10 =	vld.idx.msk [tilespmem:v10+s25+$0x0], $0xffff  }
0x191: {  	v12 =	vld.idx.msk [tilespmem:v12+s25+$0x0], $0xffff  }
0x192: {  	v11 =	vld.idx.msk [tilespmem:v11+s24+$0x0], $0xffff  }
0x193: {  	v14 =	vld.idx.msk [tilespmem:v14+s24+$0x0], $0xffff;
	_ =	sdelay $0x1  }
0x194: {  	v10 =	vadd.f32 v10, v13  }
0x195: {  	v12 =	vadd.f32 v12, v15  }
0x196: {  	v10 =	vadd.f32 v11, v10  }
0x197: {  	v11 =	vadd.f32 v14, v12  }
0x198: {  	v38 =	vmul.f32 $2.000000030e-01, v10  }
0x199: {  	v39 =	vmul.f32 $2.000000030e-01, v11  }
0x19a: {  	v10 =	vmax.f32 v10, v38  }
0x19b: {  	v10 =	vmul.f32 $1.442695020e+00, v10;
	v11 =	vmax.f32 v11, v39  }
0x19c: {  	v11 =	vmul.f32 $1.442695020e+00, v11  }
0x19d: {  	(erf) = vpow2.f32 v10  }
0x19e: {  	(erf) = vpow2.f32 v11;
	_ =	sdelay $0x7  }
0x19f: {  	v10 =	vpop (erf)  }
0x1a0: {  	v11 =	vpop (erf);
	[tilespmem:$0xA180] =	vst v10  }
0x1a1: {  	[tilespmem:$0xA200] =	vst v11  }
0x1a2: {  	[tilespmem:v0+s31+$0x0] =	vst.idx.msk $0xffff, v10  }
0x1a3: {  	[tilespmem:v1+s31+$0x0] =	vst.idx.msk $0xffff, v11  }
0x1a4: {  	v10 =	vld [tilespmem:$0x90];
	_ =	sdelay $0x1  }
0x1a5: {  	v11 =	vld [tilespmem:$0x110];
	_ =	sdelay $0x2  }
0x1a6: {  	v10 =	vshll.u32 v10, $0x1  }
0x1a7: {  	v40 =	vor.u32 $0x1, v10  }
0x1a8: {  	v11 =	vshll.u32 v11, $0x1  }
0x1a9: {  	v41 =	vld.idx.msk [tilespmem:v2+s31+$0x0], $0xffff;
	v42 =	vor.u32 $0x1, v11  }
0x1aa: {  	v43 =	vld.idx.msk [tilespmem:v3+s31+$0x0], $0xffff  }
0x1ab: {  	v10 =	vld.idx.msk [tilespmem:v10+s25+$0x0], $0xffff  }
0x1ac: {  	v12 =	vld.idx.msk [tilespmem:v40+s25+$0x0], $0xffff  }
0x1ad: {  	v11 =	vld.idx.msk [tilespmem:v11+s24+$0x0], $0xffff  }
0x1ae: {  	v14 =	vld.idx.msk [tilespmem:v42+s24+$0x0], $0xffff;
	_ =	sdelay $0x1  }
0x1af: {  	v10 =	vadd.f32 v10, v41  }
0x1b0: {  	v12 =	vadd.f32 v12, v43  }
0x1b1: {  	v10 =	vadd.f32 v11, v10  }
0x1b2: {  	v11 =	vadd.f32 v14, v12  }
0x1b3: {  	v44 =	vmul.f32 $2.000000030e-01, v10  }
0x1b4: {  	v45 =	vmul.f32 $2.000000030e-01, v11  }
0x1b5: {  	v10 =	vmax.f32 v10, v44  }
0x1b6: {  	v10 =	vmul.f32 $1.442695020e+00, v10;
	v11 =	vmax.f32 v11, v45  }
0x1b7: {  	v11 =	vmul.f32 $1.442695020e+00, v11  }
0x1b8: {  	(erf) = vpow2.f32 v10  }
0x1b9: {  	(erf) = vpow2.f32 v11;
	_ =	sdelay $0x7  }
0x1ba: {  	v10 =	vpop (erf)  }
0x1bb: {  	v11 =	vpop (erf);
	[tilespmem:$0xA190] =	vst v10  }
0x1bc: {  	[tilespmem:$0xA210] =	vst v11  }
0x1bd: {  	[tilespmem:v2+s31+$0x0] =	vst.idx.msk $0xffff, v10  }
0x1be: {  	[tilespmem:v3+s31+$0x0] =	vst.idx.msk $0xffff, v11  }
0x1bf: {  	v10 =	vld [tilespmem:$0xA0];
	_ =	sdelay $0x1  }
0x1c0: {  	v11 =	vld [tilespmem:$0x120];
	_ =	sdelay $0x2  }
0x1c1: {  	v10 =	vshll.u32 v10, $0x1  }
0x1c2: {  	v46 =	vor.u32 $0x1, v10  }
0x1c3: {  	v11 =	vshll.u32 v11, $0x1  }
0x1c4: {  	v47 =	vld.idx.msk [tilespmem:v4+s31+$0x0], $0xffff;
	v48 =	vor.u32 $0x1, v11  }
0x1c5: {  	v49 =	vld.idx.msk [tilespmem:v5+s31+$0x0], $0xffff  }
0x1c6: {  	v10 =	vld.idx.msk [tilespmem:v10+s25+$0x0], $0xffff  }
0x1c7: {  	v12 =	vld.idx.msk [tilespmem:v46+s25+$0x0], $0xffff  }
0x1c8: {  	v11 =	vld.idx.msk [tilespmem:v11+s24+$0x0], $0xffff  }
0x1c9: {  	v14 =	vld.idx.msk [tilespmem:v48+s24+$0x0], $0xffff;
	_ =	sdelay $0x1  }
0x1ca: {  	v10 =	vadd.f32 v10, v47  }
0x1cb: {  	v12 =	vadd.f32 v12, v49  }
0x1cc: {  	v10 =	vadd.f32 v11, v10  }
0x1cd: {  	v11 =	vadd.f32 v14, v12  }
0x1ce: {  	v50 =	vmul.f32 $2.000000030e-01, v10  }
0x1cf: {  	v51 =	vmul.f32 $2.000000030e-01, v11  }
0x1d0: {  	v10 =	vmax.f32 v10, v50  }
0x1d1: {  	v10 =	vmul.f32 $1.442695020e+00, v10;
	v11 =	vmax.f32 v11, v51  }
0x1d2: {  	v11 =	vmul.f32 $1.442695020e+00, v11  }
0x1d3: {  	(erf) = vpow2.f32 v10  }
0x1d4: {  	(erf) = vpow2.f32 v11;
	_ =	sdelay $0x7  }
0x1d5: {  	v10 =	vpop (erf)  }
0x1d6: {  	v11 =	vpop (erf);
	[tilespmem:$0xA1A0] =	vst v10  }
0x1d7: {  	[tilespmem:$0xA220] =	vst v11  }
0x1d8: {  	[tilespmem:v4+s31+$0x0] =	vst.idx.msk $0xffff, v10  }
0x1d9: {  	[tilespmem:v5+s31+$0x0] =	vst.idx.msk $0xffff, v11  }
0x1da: {  	v10 =	vld [tilespmem:$0xB0];
	_ =	sdelay $0x1  }
0x1db: {  	v11 =	vld [tilespmem:$0x130];
	_ =	sdelay $0x2  }
0x1dc: {  	v10 =	vshll.u32 v10, $0x1  }
0x1dd: {  	v52 =	vor.u32 $0x1, v10  }
0x1de: {  	v11 =	vshll.u32 v11, $0x1  }
0x1df: {  	v53 =	vld.idx.msk [tilespmem:v6+s31+$0x0], $0xffff;
	v54 =	vor.u32 $0x1, v11  }
0x1e0: {  	v55 =	vld.idx.msk [tilespmem:v7+s31+$0x0], $0xffff  }
0x1e1: {  	v10 =	vld.idx.msk [tilespmem:v10+s25+$0x0], $0xffff  }
0x1e2: {  	v12 =	vld.idx.msk [tilespmem:v52+s25+$0x0], $0xffff  }
0x1e3: {  	v11 =	vld.idx.msk [tilespmem:v11+s24+$0x0], $0xffff  }
0x1e4: {  	v14 =	vld.idx.msk [tilespmem:v54+s24+$0x0], $0xffff;
	_ =	sdelay $0x1  }
0x1e5: {  	v10 =	vadd.f32 v10, v53  }
0x1e6: {  	v12 =	vadd.f32 v12, v55  }
0x1e7: {  	v10 =	vadd.f32 v11, v10  }
0x1e8: {  	v11 =	vadd.f32 v14, v12  }
0x1e9: {  	v56 =	vmul.f32 $2.000000030e-01, v10  }
0x1ea: {  	v57 =	vmul.f32 $2.000000030e-01, v11  }
0x1eb: {  	v10 =	vmax.f32 v10, v56  }
0x1ec: {  	v10 =	vmul.f32 $1.442695020e+00, v10;
	v11 =	vmax.f32 v11, v57  }
0x1ed: {  	v11 =	vmul.f32 $1.442695020e+00, v11  }
0x1ee: {  	(erf) = vpow2.f32 v10  }
0x1ef: {  	(erf) = vpow2.f32 v11;
	_ =	sdelay $0x7  }
0x1f0: {  	v10 =	vpop (erf)  }
0x1f1: {  	v11 =	vpop (erf);
	[tilespmem:$0xA1B0] =	vst v10  }
0x1f2: {  	[tilespmem:$0xA230] =	vst v11  }
0x1f3: {  	[tilespmem:v6+s31+$0x0] =	vst.idx.msk $0xffff, v10  }
0x1f4: {  	[tilespmem:v7+s31+$0x0] =	vst.idx.msk $0xffff, v11  }
0x1f5: {  	v10 =	vld [tilespmem:$0xC0];
	_ =	sdelay $0x1  }
0x1f6: {  	v11 =	vld [tilespmem:$0x140];
	_ =	sdelay $0x2  }
0x1f7: {  	v10 =	vshll.u32 v10, $0x1  }
0x1f8: {  	v58 =	vor.u32 $0x1, v10  }
0x1f9: {  	v11 =	vshll.u32 v11, $0x1  }
0x1fa: {  	v59 =	vld.idx.msk [tilespmem:v8+s31+$0x0], $0xffff;
	v60 =	vor.u32 $0x1, v11  }
0x1fb: {  	v61 =	vld.idx.msk [tilespmem:v9+s31+$0x0], $0xffff  }
0x1fc: {  	v10 =	vld.idx.msk [tilespmem:v10+s25+$0x0], $0xffff  }
0x1fd: {  	v12 =	vld.idx.msk [tilespmem:v58+s25+$0x0], $0xffff  }
0x1fe: {  	v11 =	vld.idx.msk [tilespmem:v11+s24+$0x0], $0xffff  }
0x1ff: {  	v14 =	vld.idx.msk [tilespmem:v60+s24+$0x0], $0xffff;
	_ =	sdelay $0x1  }
0x200: {  	v10 =	vadd.f32 v10, v59  }
0x201: {  	v12 =	vadd.f32 v12, v61  }
0x202: {  	v10 =	vadd.f32 v11, v10  }
0x203: {  	v11 =	vadd.f32 v14, v12  }
0x204: {  	v62 =	vmul.f32 $2.000000030e-01, v10  }
0x205: {  	v63 =	vmul.f32 $2.000000030e-01, v11  }
0x206: {  	v10 =	vmax.f32 v10, v62  }
0x207: {  	v10 =	vmul.f32 $1.442695020e+00, v10;
	v11 =	vmax.f32 v11, v63  }
0x208: {  	v11 =	vmul.f32 $1.442695020e+00, v11  }
0x209: {  	(erf) = vpow2.f32 v10  }
0x20a: {  	(erf) = vpow2.f32 v11;
	_ =	sdelay $0x7  }
0x20b: {  	v10 =	vpop (erf)  }
0x20c: {  	v11 =	vpop (erf);
	[tilespmem:$0xA1C0] =	vst v10  }
0x20d: {  	[tilespmem:$0xA240] =	vst v11  }
0x20e: {  	[tilespmem:v8+s31+$0x0] =	vst.idx.msk $0xffff, v10  }
0x20f: {  	[tilespmem:v9+s31+$0x0] =	vst.idx.msk $0xffff, v11  }
0x210: {  	[spmem:s3] =	stream.indirect.scatter.add.f32 [tilespmem:s31], [sflag:$0x3], $0x80, s26, s30, $0xb8;
	[tilespmem:$0x1E700] =	vst v63  }
0x211: {  	_ =	swait.ge [sflag:s23], $0x2800  }
0x212: {  	s9 =	sadd.s32 $0x1, s9;
	[sflag:s23] =	ssyncset.done $0x0  }
0x213: {  	p0 =	sne.s32 s9, s20;
	[sflag:s23] =	ssyncadd.s32 $0xFFFFD800  }
.Ltmp1:
0x214: {  	[bflag:$0x0] =	sbarrier.arrive $0xFFFF;
	(pc) =	sbr.rel @p0 .LBB2_1-.Ltmp1, $4  }
0x215: {  	[hbm:s19], [sflag:s11] =	dma.local [spmem:s12], $0x2780  }
0x216: {  	_ =	swait.ge [sflag:s23], $0x2780  }
0x217: {  	[sflag:s23] =	ssyncset.done $0x0  }
0x218: {  	[sflag:s23] =	ssyncadd.s32 $0xFFFFD880  }
0x219: {  	_ =	sfence.sel $0x180000  }
0x21a: {  	[bflag:$0x0] =	sbarrier.arrive $0xFFFF  }
0x21b: {  	_ =	strace $0x90000047  }
0x21c: {  	s0 =	stileid.u32;
	[bflag:$0x2] =	sbarrier.arrive $0xFFFF  }
0x21d: {  	p0 =	sne.s32 s0, $0x0;
	s0 =	rddreg [dreg:$0x4]  }
0x21e: {  	s0 =	sadd.s32 @!p0 $0x100000, s0  }
0x21f: {  	[sflag:s0] =	ssyncadd.tile.s32 @!p0 $0x1;
	_ =	shalt  }
.Lfunc_end2:
_tile_overlayer_lowered:
.L_overlay_start_2:
0x220: {  	(tag) =	ssettag $0x2  }
0x221: {  	s0 =	rddreg [dreg:$0x0];
	s2 =	stileid.u32  }
0x222: {  	s1 =	rddreg [dreg:$0x1];
	p0 =	sne.s32 s2, $0x0  }
0x223: {  	s3 =	rddreg [dreg:$0x2];
	[bflag:$0x3] =	sbarrier.arrive $0xFFFF;
	s2 =	simm.s32 @!p0 $0x1C03  }
0x224: {  	[timem:s3], [sflag:s2] =	dma.local @!p0 [hbm:s0], s1  }
0x225: {  	s0 =	simm.s32 @!p0 $0x3  }
0x226: {  	_ =	swait.ge @!p0 [sflag:s0], s1  }
0x227: {  	s1 =	ssub.s32 @!p0 $0x0, s1;
	[sflag:s0] =	ssyncset.done @!p0 $0x0  }
0x228: {  	[sflag:s0] =	ssyncadd.s32 @!p0 s1  }
0x229: {  	[bflag:$0x3] =	sbarrier.arrive $0xFFFF  }
0x22a: {  	_ =	shalt  }

</sc_bundles>
